<compile_context>
chip_gen: v7x
topology: tpu7x:2x2x1
jax: 0.10.2.dev20260603
libtpu: 0.0.44.dev20260713+nightly
codegen_flags: <defaults>
</compile_context>

<pallas_src>
import jax
import jax.numpy as jnp
from jax import lax
from jax.experimental import pallas as pl
from jax.experimental.pallas import tpu as pltpu
from jax.experimental.pallas import tpu_sc as plsc

N = 10000
NP = 10240
E = 320000
K = 11
NC, NS = 2, 16
NW = NC * NS
EPW = E // NW
C = 80
NCHUNK = EPW // C
RPT = NP // NS


def _make_segsum(D, with_deg, ring, tc_tiling=False):
    ng = NCHUNK // ring
    left = NCHUNK - ng * ring
    mesh = plsc.VectorSubcoreMesh(core_axis_name="c", subcore_axis_name="s")
    out_type = [jax.ShapeDtypeStruct((NC, NP, D), jnp.float32)]
    scratch = [
        pltpu.VMEM((NCHUNK, C), jnp.int32),
        pltpu.VMEM((NCHUNK, C), jnp.int32),
        pltpu.VMEM_SHARED((NP, D), jnp.float32),
    ]
    scratch += [pltpu.VMEM((C, D), jnp.float32) for _ in range(ring)]
    scratch += [pltpu.SemaphoreType.DMA for _ in range(2 * ring)]
    if with_deg:
        out_type.append(jax.ShapeDtypeStruct((NC, NP), jnp.float32))
        scratch += [
            pltpu.VMEM((C,), jnp.float32),
            pltpu.VMEM((RPT,), jnp.float32),
            pltpu.VMEM_SHARED((NP,), jnp.float32),
            pltpu.SemaphoreType.DMA,
        ]

    def body(x_hbm, src_hbm, dst_hbm, *rest):
        h_out = rest[0]
        rest = rest[1:]
        if with_deg:
            deg_out = rest[0]
            rest = rest[1:]
        src_all, dst_all, h_sh = rest[0], rest[1], rest[2]
        bufs = rest[3:3 + ring]
        gsem = rest[3 + ring:3 + 2 * ring]
        ssem = rest[3 + 2 * ring:3 + 3 * ring]
        if with_deg:
            ones_v, dz_v, deg_sh, dsem = rest[3 + 3 * ring:]
        c = lax.axis_index("c")
        s = lax.axis_index("s")
        wid = c * NS + s
        row0 = s * RPT

        zero16 = jnp.zeros((16,), jnp.float32)
        b0 = bufs[0]

        @pl.loop(0, C)
        def _zero_b0(r):
            for j in range(D // 16):
                b0[r, pl.ds(j * 16, 16)] = zero16

        pltpu.sync_copy(src_hbm.at[wid], src_all)
        pltpu.sync_copy(dst_hbm.at[wid], dst_all)

        @pl.loop(0, RPT // C)
        def _zero_h(k):
            pltpu.sync_copy(b0, h_sh.at[pl.ds(row0 + k * C, C)])

        if RPT % C:
            pltpu.sync_copy(b0.at[pl.ds(0, RPT % C)],
                            h_sh.at[pl.ds(row0 + (RPT // C) * C, RPT % C)])

        if with_deg:
            @pl.loop(0, RPT // 16)
            def _zero_dz(i):
                dz_v[pl.ds(i * 16, 16)] = zero16

            for j in range(C // 16):
                ones_v[pl.ds(j * 16, 16)] = jnp.ones((16,), jnp.float32)
            pltpu.sync_copy(dz_v, deg_sh.at[pl.ds(row0, RPT)])

        plsc.subcore_barrier()

        def g_issue(i, buf, sem):
            pltpu.async_copy(x_hbm.at[src_all.at[i]], buf, sem)

        def g_wait(i, buf, sem):
            pltpu.make_async_copy(x_hbm.at[src_all.at[i]], buf, sem).wait()

        def s_issue(i, buf, sem):
            pltpu.async_copy(buf, h_sh.at[dst_all.at[i]], sem, add=True)

        def s_wait(i, buf, sem):
            pltpu.make_async_copy(buf, h_sh.at[dst_all.at[i]], sem).wait()

        def d_issue(i):
            pltpu.async_copy(ones_v, deg_sh.at[dst_all.at[i]], dsem, add=True)

        def d_wait(i):
            pltpu.make_async_copy(ones_v, deg_sh.at[dst_all.at[i]], dsem).wait()

        if ring == 2:
            npair = (NCHUNK - 1) // 2
            buf0, buf1 = bufs
            gs0, gs1 = gsem
            ss0, ss1 = ssem
            g_issue(0, buf0, gs0)
            g_issue(1, buf1, gs1)

            @pl.loop(0, npair)
            def _pairs(k):
                e = k * 2
                g_wait(e, buf0, gs0)
                if with_deg:
                    d_issue(e)
                s_issue(e, buf0, ss0)
                s_wait(e, buf0, ss0)
                g_issue(e + 2, buf0, gs0)
                g_wait(e + 1, buf1, gs1)
                if with_deg:
                    d_issue(e + 1)
                s_issue(e + 1, buf1, ss1)
                s_wait(e + 1, buf1, ss1)

                @pl.when(k < npair - 1)
                def _prefetch_odd():
                    g_issue(e + 3, buf1, gs1)

                if with_deg:
                    d_wait(e)
                    d_wait(e + 1)

            last = NCHUNK - 1
            g_wait(last, buf0, gs0)
            s_issue(last, buf0, ss0)
            if with_deg:
                d_issue(last)
            s_wait(last, buf0, ss0)
            if with_deg:
                d_wait(last)
        else:
            for l in range(left):
                e = NCHUNK - 1 - l
                g_issue(e, bufs[l], gsem[l])
                g_wait(e, bufs[l], gsem[l])
                s_issue(e, bufs[l], ssem[l])
                if with_deg:
                    d_issue(e)
                    d_wait(e)
                s_wait(e, bufs[l], ssem[l])

            for j in range(ring):
                g_issue(j, bufs[j], gsem[j])

            @pl.loop(0, ng)
            def _groups(g):
                e0 = g * ring
                for j in range(ring):
                    e = e0 + j
                    g_wait(e, bufs[j], gsem[j])
                    s_issue(e, bufs[j], ssem[j])
                    if with_deg:
                        d_issue(e)
                for j in range(ring):
                    e = e0 + j
                    s_wait(e, bufs[j], ssem[j])

                    @pl.when(g < ng - 1)
                    def _next_gather():
                        g_issue(e + ring, bufs[j], gsem[j])
                if with_deg:
                    for j in range(ring):
                        d_wait(e0 + j)

        plsc.subcore_barrier()

        pltpu.sync_copy(h_sh.at[pl.ds(row0, RPT)], h_out.at[c, pl.ds(row0, RPT)])
        if with_deg:
            pltpu.sync_copy(deg_sh.at[pl.ds(row0, RPT)],
                            deg_out.at[c, pl.ds(row0, RPT)])

    return pl.kernel(body, out_type=tuple(out_type), mesh=mesh,
                     scratch_types=tuple(scratch),
                     compiler_params=pltpu.CompilerParams(
                         use_tc_tiling_on_sc=tc_tiling))


_segsum_cache = {}


def _segsum(D, with_deg, ring, tc_tiling=False):
    key = (D, with_deg, ring, tc_tiling)
    if key not in _segsum_cache:
        _segsum_cache[key] = _make_segsum(D, with_deg, ring, tc_tiling)
    return _segsum_cache[key]


def _mfconv_tc(hp, xin, wlf, blf, wrf, degcol, hout, relu):
    B = 2048
    din = xin.shape[1]
    kh = wlf.shape[1]
    grid = (pl.cdiv(N, B),)

    def tc_body(h0, h1, xr, wl, bl, wr, d0, d1, out):
        h = h0[0] + h1[0]
        r = jnp.dot(h, wl[...], preferred_element_type=jnp.float32)
        r += jnp.dot(xr[...], wr[...], preferred_element_type=jnp.float32)
        r += bl[...]
        deg = jnp.minimum(d0[0] + d1[0], float(K - 1))
        grp = (lax.broadcasted_iota(jnp.int32, (1, kh), 1) // hout
               ).astype(jnp.float32)
        m = r * (deg == grp).astype(jnp.float32)
        if hout % 128 == 0:
            acc = m[:, 0:hout]
            for d in range(1, K):
                acc += m[:, d * hout:(d + 1) * hout]
        else:
            row = lax.broadcasted_iota(jnp.int32, (kh, hout), 0)
            col = lax.broadcasted_iota(jnp.int32, (kh, hout), 1)
            g = (row % hout == col).astype(jnp.float32)
            acc = jnp.dot(m, g, preferred_element_type=jnp.float32)
        out[...] = jnp.maximum(acc, 0.0) if relu else acc

    return pl.pallas_call(
        tc_body,
        grid=grid,
        in_specs=[
            pl.BlockSpec((1, B, hp.shape[2]), lambda i: (0, i, 0)),
            pl.BlockSpec((1, B, hp.shape[2]), lambda i: (1, i, 0)),
            pl.BlockSpec((B, din), lambda i: (i, 0)),
            pl.BlockSpec((din, kh), lambda i: (0, 0)),
            pl.BlockSpec((1, kh), lambda i: (0, 0)),
            pl.BlockSpec((din, kh), lambda i: (0, 0)),
            pl.BlockSpec((1, B, 1), lambda i: (0, i, 0)),
            pl.BlockSpec((1, B, 1), lambda i: (1, i, 0)),
        ],
        out_specs=pl.BlockSpec((B, hout), lambda i: (i, 0)),
        out_shape=jax.ShapeDtypeStruct((N, hout), jnp.float32),
    )(hp, hp, xin, wlf, blf, wrf, degcol, degcol)


def kernel(x, edge_index, Wl1, bl1, Wr1, Wl2, bl2, Wr2):
    ei = edge_index.astype(jnp.int32)
    src = ei[0].reshape(NW, NCHUNK, C)
    dst = ei[1].reshape(NW, NCHUNK, C)

    wl1f = Wl1.transpose(1, 0, 2).reshape(128, K * 32)
    wr1f = Wr1.transpose(1, 0, 2).reshape(128, K * 32)
    bl1f = bl1.reshape(1, K * 32)
    wl2f = Wl2.transpose(1, 0, 2).reshape(32, K * 128)
    wr2f = Wr2.transpose(1, 0, 2).reshape(32, K * 128)
    bl2f = bl2.reshape(1, K * 128)

    hp1, degp = _segsum(128, True, 2)(x, src, dst)
    degcol = degp.reshape(NC, NP, 1)
    o1 = _mfconv_tc(hp1, x, wl1f, bl1f, wr1f, degcol, 32, relu=True)
    (hp2,) = _segsum(32, False, 5)(o1, src, dst)
    out = _mfconv_tc(hp2, o1, wl2f, bl2f, wr2f, degcol, 128, relu=False)
    return out

# --- scband reference (transcript-rebuilt; emitter-appended) ---
"""Pipeline reference for scband-mfnet-4423816315319 (READ-ONLY COPY).

The authoritative reference and input builder live on the scoring server;
editing this copy changes nothing except your own understanding.
"""

import jax, jax.numpy as jnp
import numpy as np

MAX_DEGREE = 10

def setup_inputs(seed: int = 0) -> dict:
    key = jax.random.key(seed)
    ks = jax.random.split(key, 10)
    N, E, D_IN, HID, D_OUT = 10000, 320000, 128, 32, 128
    x = jax.random.normal(ks[0], (N, D_IN), dtype=jnp.float32)
    edge_index = jax.random.randint(ks[1], (2, E), 0, N, dtype=jnp.int64)
    K = MAX_DEGREE + 1
    Wl1 = jax.random.normal(ks[2], (K, D_IN, HID), dtype=jnp.float32) * 0.05
    bl1 = jax.random.normal(ks[3], (K, HID), dtype=jnp.float32) * 0.05
    Wr1 = jax.random.normal(ks[4], (K, D_IN, HID), dtype=jnp.float32) * 0.05
    Wl2 = jax.random.normal(ks[5], (K, HID, D_OUT), dtype=jnp.float32) * 0.05
    bl2 = jax.random.normal(ks[6], (K, D_OUT), dtype=jnp.float32) * 0.05
    Wr2 = jax.random.normal(ks[7], (K, HID, D_OUT), dtype=jnp.float32) * 0.05
    return {"x": x, "edge_index": edge_index, "Wl1": Wl1, "bl1": bl1, "Wr1": Wr1, "Wl2": Wl2, "bl2": bl2, "Wr2": Wr2}

def _mfconv(x, src, dst, Wl, bl, Wr):
    # MFConv: out_i = Theta1_{deg(i)} @ h_i + b_{deg(i)} + Theta2_{deg(i)} @ x_i,
    # where h_i = sum_{j in N(i)} x_j and deg is clamped to MAX_DEGREE.
    N = x.shape[0]
    h = jax.ops.segment_sum(x[src], dst, num_segments=N)
    deg = jnp.clip(jnp.bincount(dst, length=N), 0, MAX_DEGREE)
    out = jnp.zeros((N, Wl.shape[2]), dtype=x.dtype)
    for d in range(MAX_DEGREE + 1):
        r = h @ Wl[d] + bl[d] + x @ Wr[d]
        out = jnp.where((deg == d)[:, None], r, out)
    return out

def reference(x, edge_index, Wl1, bl1, Wr1, Wl2, bl2, Wr2):
    src, dst = edge_index[0], edge_index[1]
    h = _mfconv(x, src, dst, Wl1, bl1, Wr1)
    h = jax.nn.relu(h)
    out = _mfconv(h, src, dst, Wl2, bl2, Wr2)
    return out

if __name__ == "__main__":
    import jax
    _d = setup_inputs()
    print(jax.jit(kernel)(*tuple(_d.values())))

</pallas_src>

<mosaic_0001>
#map = affine_map<(d0, d1) -> (0, 0)>
#map1 = affine_map<(d0, d1) -> (0, 0, 0)>
module attributes {stable_mosaic.version = 14 : i64} {
  func.func @body(%arg0: i32, %arg1: i32, %arg2: memref<10000x128xf32, #tpu.memory_space<hbm>>, %arg3: memref<32x125x80xi32, #tpu.memory_space<hbm>>, %arg4: memref<32x125x80xi32, #tpu.memory_space<hbm>>, %arg5: memref<2x10240x128xf32, #tpu.memory_space<hbm>>, %arg6: memref<2x10240xf32, #tpu.memory_space<hbm>>, %arg7: memref<125x80xi32, #tpu.memory_space<vmem>>, %arg8: memref<125x80xi32, #tpu.memory_space<vmem>>, %arg9: memref<10240x128xf32, #tpu.memory_space<vmem_shared>>, %arg10: memref<80x128xf32, #tpu.memory_space<vmem>>, %arg11: memref<80x128xf32, #tpu.memory_space<vmem>>, %arg12: memref<!tpu.dma_semaphore, #tpu.memory_space<semaphore_mem>>, %arg13: memref<!tpu.dma_semaphore, #tpu.memory_space<semaphore_mem>>, %arg14: memref<!tpu.dma_semaphore, #tpu.memory_space<semaphore_mem>>, %arg15: memref<!tpu.dma_semaphore, #tpu.memory_space<semaphore_mem>>, %arg16: memref<80xf32, #tpu.memory_space<vmem>>, %arg17: memref<640xf32, #tpu.memory_space<vmem>>, %arg18: memref<10240xf32, #tpu.memory_space<vmem_shared>>, %arg19: memref<!tpu.dma_semaphore, #tpu.memory_space<semaphore_mem>>) attributes {dimension_semantics = [#tpu.dimension_semantics<core_parallel>, #tpu.dimension_semantics<subcore_parallel>], iteration_bounds = array<i64: 2, 16>, scalar_prefetch = 0 : i64, scratch_operands = 13 : i64, tpu.core_type = #tpu.core_type<sc_vector_subcore>, window_params = [{transform_indices = #map}, {transform_indices = #map1}, {transform_indices = #map1}, {transform_indices = #map1}, {transform_indices = #map}]} {
    %mul3A = arith.constant 16 : i32
    %mul3A_0 = arith.muli %arg0, %mul3A : i32
    %add3A = arith.addi %mul3A_0, %arg1 : i32
    %mul3A_1 = arith.constant 640 : i32
    %mul3A_2 = arith.muli %arg1, %mul3A_1 : i32
    %broadcast_in_dim3A = arith.constant 0.000000e+00 : f32
    %broadcast_in_dim3A_3 = vector.broadcast %broadcast_in_dim3A : f32 to vector<16xf32>
    %scan3A = arith.constant 0 : i32
    %scan3A_4 = arith.constant 80 : i32
    %scan3A_5 = arith.addi %scan3A, %scan3A_4 : i32
    %scan3A_6 = arith.constant 1 : i32
    scf.for %scan3A_98 = %scan3A to %scan3A_5 step %scan3A_6  : i32 {
      %mul3A_99 = arith.constant 1 : i32
      %mul3A_100 = arith.muli %scan3A_98, %mul3A_99 : i32
      %add3A_101 = arith.constant 0 : i32
      %add3A_102 = arith.addi %add3A_101, %mul3A_100 : i32
      %swap3A_103 = arith.index_cast %add3A_102 : i32 to index
      %swap3A_104 = arith.constant 0 : index
      %swap3A_105 = tpu.vector_load %arg10[%swap3A_103, %swap3A_104] {strides = array<i32>} : memref<80x128xf32, #tpu.memory_space<vmem>>, vector<1x16xf32>,
      %swap3A_106 = vector.shape_cast %swap3A_105 : vector<1x16xf32> to vector<16xf32>
      %swap3A_107 = vector.shape_cast %broadcast_in_dim3A_3 : vector<16xf32> to vector<1x16xf32>
      tpu.vector_store %arg10[%swap3A_103, %swap3A_104], %swap3A_107 {strides = array<i32>} : memref<80x128xf32, #tpu.memory_space<vmem>>, vector<1x16xf32>,
      %swap3A_108 = arith.index_cast %add3A_102 : i32 to index
      %swap3A_109 = arith.constant 16 : index
      %swap3A_110 = tpu.vector_load %arg10[%swap3A_108, %swap3A_109] {strides = array<i32>} : memref<80x128xf32, #tpu.memory_space<vmem>>, vector<1x16xf32>,
      %swap3A_111 = vector.shape_cast %swap3A_110 : vector<1x16xf32> to vector<16xf32>
      %swap3A_112 = vector.shape_cast %broadcast_in_dim3A_3 : vector<16xf32> to vector<1x16xf32>
      tpu.vector_store %arg10[%swap3A_108, %swap3A_109], %swap3A_112 {strides = array<i32>} : memref<80x128xf32, #tpu.memory_space<vmem>>, vector<1x16xf32>,
      %swap3A_113 = arith.index_cast %add3A_102 : i32 to index
      %swap3A_114 = arith.constant 32 : index
      %swap3A_115 = tpu.vector_load %arg10[%swap3A_113, %swap3A_114] {strides = array<i32>} : memref<80x128xf32, #tpu.memory_space<vmem>>, vector<1x16xf32>,
      %swap3A_116 = vector.shape_cast %swap3A_115 : vector<1x16xf32> to vector<16xf32>
      %swap3A_117 = vector.shape_cast %broadcast_in_dim3A_3 : vector<16xf32> to vector<1x16xf32>
      tpu.vector_store %arg10[%swap3A_113, %swap3A_114], %swap3A_117 {strides = array<i32>} : memref<80x128xf32, #tpu.memory_space<vmem>>, vector<1x16xf32>,
      %swap3A_118 = arith.index_cast %add3A_102 : i32 to index
      %swap3A_119 = arith.constant 48 : index
      %swap3A_120 = tpu.vector_load %arg10[%swap3A_118, %swap3A_119] {strides = array<i32>} : memref<80x128xf32, #tpu.memory_space<vmem>>, vector<1x16xf32>,
      %swap3A_121 = vector.shape_cast %swap3A_120 : vector<1x16xf32> to vector<16xf32>
      %swap3A_122 = vector.shape_cast %broadcast_in_dim3A_3 : vector<16xf32> to vector<1x16xf32>
      tpu.vector_store %arg10[%swap3A_118, %swap3A_119], %swap3A_122 {strides = array<i32>} : memref<80x128xf32, #tpu.memory_space<vmem>>, vector<1x16xf32>,
      %swap3A_123 = arith.index_cast %add3A_102 : i32 to index
      %swap3A_124 = arith.constant 64 : index
      %swap3A_125 = tpu.vector_load %arg10[%swap3A_123, %swap3A_124] {strides = array<i32>} : memref<80x128xf32, #tpu.memory_space<vmem>>, vector<1x16xf32>,
      %swap3A_126 = vector.shape_cast %swap3A_125 : vector<1x16xf32> to vector<16xf32>
      %swap3A_127 = vector.shape_cast %broadcast_in_dim3A_3 : vector<16xf32> to vector<1x16xf32>
      tpu.vector_store %arg10[%swap3A_123, %swap3A_124], %swap3A_127 {strides = array<i32>} : memref<80x128xf32, #tpu.memory_space<vmem>>, vector<1x16xf32>,
      %swap3A_128 = arith.index_cast %add3A_102 : i32 to index
      %swap3A_129 = arith.constant 80 : index
      %swap3A_130 = tpu.vector_load %arg10[%swap3A_128, %swap3A_129] {strides = array<i32>} : memref<80x128xf32, #tpu.memory_space<vmem>>, vector<1x16xf32>,
      %swap3A_131 = vector.shape_cast %swap3A_130 : vector<1x16xf32> to vector<16xf32>
      %swap3A_132 = vector.shape_cast %broadcast_in_dim3A_3 : vector<16xf32> to vector<1x16xf32>
      tpu.vector_store %arg10[%swap3A_128, %swap3A_129], %swap3A_132 {strides = array<i32>} : memref<80x128xf32, #tpu.memory_space<vmem>>, vector<1x16xf32>,
      %swap3A_133 = arith.index_cast %add3A_102 : i32 to index
      %swap3A_134 = arith.constant 96 : index
      %swap3A_135 = tpu.vector_load %arg10[%swap3A_133, %swap3A_134] {strides = array<i32>} : memref<80x128xf32, #tpu.memory_space<vmem>>, vector<1x16xf32>,
      %swap3A_136 = vector.shape_cast %swap3A_135 : vector<1x16xf32> to vector<16xf32>
      %swap3A_137 = vector.shape_cast %broadcast_in_dim3A_3 : vector<16xf32> to vector<1x16xf32>
      tpu.vector_store %arg10[%swap3A_133, %swap3A_134], %swap3A_137 {strides = array<i32>} : memref<80x128xf32, #tpu.memory_space<vmem>>, vector<1x16xf32>,
      %swap3A_138 = arith.index_cast %add3A_102 : i32 to index
      %swap3A_139 = arith.constant 112 : index
      %swap3A_140 = tpu.vector_load %arg10[%swap3A_138, %swap3A_139] {strides = array<i32>} : memref<80x128xf32, #tpu.memory_space<vmem>>, vector<1x16xf32>,
      %swap3A_141 = vector.shape_cast %swap3A_140 : vector<1x16xf32> to vector<16xf32>
      %swap3A_142 = vector.shape_cast %broadcast_in_dim3A_3 : vector<16xf32> to vector<1x16xf32>
      tpu.vector_store %arg10[%swap3A_138, %swap3A_139], %swap3A_142 {strides = array<i32>} : memref<80x128xf32, #tpu.memory_space<vmem>>, vector<1x16xf32>,
    }
    %scan3A_7 = arith.constant 80 : i32
    "tpu.region"() ({
      %run_scoped3A = tpu.sem_alloc : memref<!tpu.dma_semaphore, #tpu.memory_space<semaphore_mem>>
      %dma_start3A_98 = arith.constant 0 : i32
      %dma_start3A_99 = arith.constant 0 : i32
      %dma_start3A_100 = tpu.memref_slice %arg3[%add3A, %dma_start3A_98, %dma_start3A_99] : memref<32x125x80xi32, #tpu.memory_space<hbm>> -> memref<1x125x80xi32, #tpu.memory_space<hbm>>
      %dma_start3A_101 = tpu.memref_squeeze %dma_start3A_100 : memref<1x125x80xi32, #tpu.memory_space<hbm>> -> memref<125x80xi32, #tpu.memory_space<hbm>>
      %dma_start3A_102 = arith.constant 0 : i32
      %dma_start3A_103 = arith.constant 0 : i32
      %dma_start3A_104 = tpu.memref_slice %arg3[%add3A, %dma_start3A_102, %dma_start3A_103] : memref<32x125x80xi32, #tpu.memory_space<hbm>> -> memref<1x125x80xi32, #tpu.memory_space<hbm>>
      %dma_start3A_105 = tpu.memref_squeeze %dma_start3A_104 : memref<1x125x80xi32, #tpu.memory_space<hbm>> -> memref<125x80xi32, #tpu.memory_space<hbm>>
      tpu.enqueue_dma source(%dma_start3A_105 : memref<125x80xi32, #tpu.memory_space<hbm>>) target(%arg7 : memref<125x80xi32, #tpu.memory_space<vmem>>) target_semaphore(%run_scoped3A : memref<!tpu.dma_semaphore, #tpu.memory_space<semaphore_mem>>)
      %dma_wait3A_106 = arith.constant 0 : i32
      %dma_wait3A_107 = arith.constant 0 : i32
      %dma_wait3A_108 = tpu.memref_slice %arg3[%add3A, %dma_wait3A_106, %dma_wait3A_107] : memref<32x125x80xi32, #tpu.memory_space<hbm>> -> memref<1x125x80xi32, #tpu.memory_space<hbm>>
      %dma_wait3A_109 = tpu.memref_squeeze %dma_wait3A_108 : memref<1x125x80xi32, #tpu.memory_space<hbm>> -> memref<125x80xi32, #tpu.memory_space<hbm>>
      %dma_wait3A_110 = arith.constant 0 : i32
      %dma_wait3A_111 = arith.constant 0 : i32
      %dma_wait3A_112 = tpu.memref_slice %arg3[%add3A, %dma_wait3A_110, %dma_wait3A_111] : memref<32x125x80xi32, #tpu.memory_space<hbm>> -> memref<1x125x80xi32, #tpu.memory_space<hbm>>
      %dma_wait3A_113 = tpu.memref_squeeze %dma_wait3A_112 : memref<1x125x80xi32, #tpu.memory_space<hbm>> -> memref<125x80xi32, #tpu.memory_space<hbm>>
      tpu.wait_dma2 semaphore(%run_scoped3A : memref<!tpu.dma_semaphore, #tpu.memory_space<semaphore_mem>>) src(%dma_wait3A_113 : memref<125x80xi32, #tpu.memory_space<hbm>>) dst(%arg7 : memref<125x80xi32, #tpu.memory_space<vmem>>)
      tpu.yield
    }) : () -> ()
    "tpu.region"() ({
      %run_scoped3A = tpu.sem_alloc : memref<!tpu.dma_semaphore, #tpu.memory_space<semaphore_mem>>
      %dma_start3A_98 = arith.constant 0 : i32
      %dma_start3A_99 = arith.constant 0 : i32
      %dma_start3A_100 = tpu.memref_slice %arg4[%add3A, %dma_start3A_98, %dma_start3A_99] : memref<32x125x80xi32, #tpu.memory_space<hbm>> -> memref<1x125x80xi32, #tpu.memory_space<hbm>>
      %dma_start3A_101 = tpu.memref_squeeze %dma_start3A_100 : memref<1x125x80xi32, #tpu.memory_space<hbm>> -> memref<125x80xi32, #tpu.memory_space<hbm>>
      %dma_start3A_102 = arith.constant 0 : i32
      %dma_start3A_103 = arith.constant 0 : i32
      %dma_start3A_104 = tpu.memref_slice %arg4[%add3A, %dma_start3A_102, %dma_start3A_103] : memref<32x125x80xi32, #tpu.memory_space<hbm>> -> memref<1x125x80xi32, #tpu.memory_space<hbm>>
      %dma_start3A_105 = tpu.memref_squeeze %dma_start3A_104 : memref<1x125x80xi32, #tpu.memory_space<hbm>> -> memref<125x80xi32, #tpu.memory_space<hbm>>
      tpu.enqueue_dma source(%dma_start3A_105 : memref<125x80xi32, #tpu.memory_space<hbm>>) target(%arg8 : memref<125x80xi32, #tpu.memory_space<vmem>>) target_semaphore(%run_scoped3A : memref<!tpu.dma_semaphore, #tpu.memory_space<semaphore_mem>>)
      %dma_wait3A_106 = arith.constant 0 : i32
      %dma_wait3A_107 = arith.constant 0 : i32
      %dma_wait3A_108 = tpu.memref_slice %arg4[%add3A, %dma_wait3A_106, %dma_wait3A_107] : memref<32x125x80xi32, #tpu.memory_space<hbm>> -> memref<1x125x80xi32, #tpu.memory_space<hbm>>
      %dma_wait3A_109 = tpu.memref_squeeze %dma_wait3A_108 : memref<1x125x80xi32, #tpu.memory_space<hbm>> -> memref<125x80xi32, #tpu.memory_space<hbm>>
      %dma_wait3A_110 = arith.constant 0 : i32
      %dma_wait3A_111 = arith.constant 0 : i32
      %dma_wait3A_112 = tpu.memref_slice %arg4[%add3A, %dma_wait3A_110, %dma_wait3A_111] : memref<32x125x80xi32, #tpu.memory_space<hbm>> -> memref<1x125x80xi32, #tpu.memory_space<hbm>>
      %dma_wait3A_113 = tpu.memref_squeeze %dma_wait3A_112 : memref<1x125x80xi32, #tpu.memory_space<hbm>> -> memref<125x80xi32, #tpu.memory_space<hbm>>
      tpu.wait_dma2 semaphore(%run_scoped3A : memref<!tpu.dma_semaphore, #tpu.memory_space<semaphore_mem>>) src(%dma_wait3A_113 : memref<125x80xi32, #tpu.memory_space<hbm>>) dst(%arg8 : memref<125x80xi32, #tpu.memory_space<vmem>>)
      tpu.yield
    }) : () -> ()
    %scan3A_8 = arith.constant 0 : i32
    %scan3A_9 = arith.constant 8 : i32
    %scan3A_10 = arith.addi %scan3A_8, %scan3A_9 : i32
    %scan3A_11 = arith.constant 1 : i32
    scf.for %scan3A_98 = %scan3A_8 to %scan3A_10 step %scan3A_11  : i32 {
      %mul3A_99 = arith.constant 1 : i32
      %mul3A_100 = arith.muli %scan3A_98, %mul3A_99 : i32
      %add3A_101 = arith.constant 0 : i32
      %add3A_102 = arith.addi %add3A_101, %mul3A_100 : i32
      %mul3A_103 = arith.constant 80 : i32
      %mul3A_104 = arith.muli %add3A_102, %mul3A_103 : i32
      %add3A_105 = arith.addi %mul3A_2, %mul3A_104 : i32
      "tpu.region"() ({
        %run_scoped3A = tpu.sem_alloc : memref<!tpu.dma_semaphore, #tpu.memory_space<semaphore_mem>>
        %dma_start3A_106 = arith.constant 0 : i32
        %dma_start3A_107 = tpu.memref_slice %arg9[%add3A_105, %dma_start3A_106] : memref<10240x128xf32, #tpu.memory_space<vmem_shared>> -> memref<80x128xf32, #tpu.memory_space<vmem_shared>>
        %dma_start3A_108 = arith.constant 0 : i32
        %dma_start3A_109 = tpu.memref_slice %arg9[%add3A_105, %dma_start3A_108] : memref<10240x128xf32, #tpu.memory_space<vmem_shared>> -> memref<80x128xf32, #tpu.memory_space<vmem_shared>>
        tpu.enqueue_dma source(%arg10 : memref<80x128xf32, #tpu.memory_space<vmem>>) target(%dma_start3A_109 : memref<80x128xf32, #tpu.memory_space<vmem_shared>>) target_semaphore(%run_scoped3A : memref<!tpu.dma_semaphore, #tpu.memory_space<semaphore_mem>>)
        %dma_wait3A_110 = arith.constant 0 : i32
        %dma_wait3A_111 = tpu.memref_slice %arg9[%add3A_105, %dma_wait3A_110] : memref<10240x128xf32, #tpu.memory_space<vmem_shared>> -> memref<80x128xf32, #tpu.memory_space<vmem_shared>>
        %dma_wait3A_112 = arith.constant 0 : i32
        %dma_wait3A_113 = tpu.memref_slice %arg9[%add3A_105, %dma_wait3A_112] : memref<10240x128xf32, #tpu.memory_space<vmem_shared>> -> memref<80x128xf32, #tpu.memory_space<vmem_shared>>
        tpu.wait_dma2 semaphore(%run_scoped3A : memref<!tpu.dma_semaphore, #tpu.memory_space<semaphore_mem>>) src(%arg10 : memref<80x128xf32, #tpu.memory_space<vmem>>) dst(%dma_wait3A_113 : memref<80x128xf32, #tpu.memory_space<vmem_shared>>)
        tpu.yield
      }) : () -> ()
    }
    %scan3A_12 = arith.constant 8 : i32
    %scan3A_13 = arith.constant 0 : i32
    %scan3A_14 = arith.constant 40 : i32
    %scan3A_15 = arith.addi %scan3A_13, %scan3A_14 : i32
    %scan3A_16 = arith.constant 1 : i32
    scf.for %scan3A_98 = %scan3A_13 to %scan3A_15 step %scan3A_16  : i32 {
      %mul3A_99 = arith.constant 1 : i32
      %mul3A_100 = arith.muli %scan3A_98, %mul3A_99 : i32
      %add3A_101 = arith.constant 0 : i32
      %add3A_102 = arith.addi %add3A_101, %mul3A_100 : i32
      %mul3A_103 = arith.constant 16 : i32
      %mul3A_104 = arith.muli %add3A_102, %mul3A_103 : i32
      %swap3A_105 = arith.index_cast %mul3A_104 : i32 to index
      %swap3A_106 = tpu.vector_load %arg17[%swap3A_105] {strides = array<i32>} : memref<640xf32, #tpu.memory_space<vmem>>, vector<16xf32>,
      %swap3A_107 = vector.shape_cast %swap3A_106 : vector<16xf32> to vector<16xf32>
      %swap3A_108 = vector.shape_cast %broadcast_in_dim3A_3 : vector<16xf32> to vector<16xf32>
      tpu.vector_store %arg17[%swap3A_105], %swap3A_108 {strides = array<i32>} : memref<640xf32, #tpu.memory_space<vmem>>, vector<16xf32>,
    }
    %scan3A_17 = arith.constant 40 : i32
    %broadcast_in_dim3A_18 = arith.constant 1.000000e+00 : f32
    %broadcast_in_dim3A_19 = vector.broadcast %broadcast_in_dim3A_18 : f32 to vector<16xf32>
    %swap3A = arith.constant 0 : index
    %swap3A_20 = tpu.vector_load %arg16[%swap3A] {strides = array<i32>} : memref<80xf32, #tpu.memory_space<vmem>>, vector<16xf32>,
    %swap3A_21 = vector.shape_cast %swap3A_20 : vector<16xf32> to vector<16xf32>
    %swap3A_22 = vector.shape_cast %broadcast_in_dim3A_19 : vector<16xf32> to vector<16xf32>
    tpu.vector_store %arg16[%swap3A], %swap3A_22 {strides = array<i32>} : memref<80xf32, #tpu.memory_space<vmem>>, vector<16xf32>,
    %broadcast_in_dim3A_23 = arith.constant 1.000000e+00 : f32
    %broadcast_in_dim3A_24 = vector.broadcast %broadcast_in_dim3A_23 : f32 to vector<16xf32>
    %swap3A_25 = arith.constant 16 : index
    %swap3A_26 = tpu.vector_load %arg16[%swap3A_25] {strides = array<i32>} : memref<80xf32, #tpu.memory_space<vmem>>, vector<16xf32>,
    %swap3A_27 = vector.shape_cast %swap3A_26 : vector<16xf32> to vector<16xf32>
    %swap3A_28 = vector.shape_cast %broadcast_in_dim3A_24 : vector<16xf32> to vector<16xf32>
    tpu.vector_store %arg16[%swap3A_25], %swap3A_28 {strides = array<i32>} : memref<80xf32, #tpu.memory_space<vmem>>, vector<16xf32>,
    %broadcast_in_dim3A_29 = arith.constant 1.000000e+00 : f32
    %broadcast_in_dim3A_30 = vector.broadcast %broadcast_in_dim3A_29 : f32 to vector<16xf32>
    %swap3A_31 = arith.constant 32 : index
    %swap3A_32 = tpu.vector_load %arg16[%swap3A_31] {strides = array<i32>} : memref<80xf32, #tpu.memory_space<vmem>>, vector<16xf32>,
    %swap3A_33 = vector.shape_cast %swap3A_32 : vector<16xf32> to vector<16xf32>
    %swap3A_34 = vector.shape_cast %broadcast_in_dim3A_30 : vector<16xf32> to vector<16xf32>
    tpu.vector_store %arg16[%swap3A_31], %swap3A_34 {strides = array<i32>} : memref<80xf32, #tpu.memory_space<vmem>>, vector<16xf32>,
    %broadcast_in_dim3A_35 = arith.constant 1.000000e+00 : f32
    %broadcast_in_dim3A_36 = vector.broadcast %broadcast_in_dim3A_35 : f32 to vector<16xf32>
    %swap3A_37 = arith.constant 48 : index
    %swap3A_38 = tpu.vector_load %arg16[%swap3A_37] {strides = array<i32>} : memref<80xf32, #tpu.memory_space<vmem>>, vector<16xf32>,
    %swap3A_39 = vector.shape_cast %swap3A_38 : vector<16xf32> to vector<16xf32>
    %swap3A_40 = vector.shape_cast %broadcast_in_dim3A_36 : vector<16xf32> to vector<16xf32>
    tpu.vector_store %arg16[%swap3A_37], %swap3A_40 {strides = array<i32>} : memref<80xf32, #tpu.memory_space<vmem>>, vector<16xf32>,
    %broadcast_in_dim3A_41 = arith.constant 1.000000e+00 : f32
    %broadcast_in_dim3A_42 = vector.broadcast %broadcast_in_dim3A_41 : f32 to vector<16xf32>
    %swap3A_43 = arith.constant 64 : index
    %swap3A_44 = tpu.vector_load %arg16[%swap3A_43] {strides = array<i32>} : memref<80xf32, #tpu.memory_space<vmem>>, vector<16xf32>,
    %swap3A_45 = vector.shape_cast %swap3A_44 : vector<16xf32> to vector<16xf32>
    %swap3A_46 = vector.shape_cast %broadcast_in_dim3A_42 : vector<16xf32> to vector<16xf32>
    tpu.vector_store %arg16[%swap3A_43], %swap3A_46 {strides = array<i32>} : memref<80xf32, #tpu.memory_space<vmem>>, vector<16xf32>,
    "tpu.region"() ({
      %run_scoped3A = tpu.sem_alloc : memref<!tpu.dma_semaphore, #tpu.memory_space<semaphore_mem>>
      %dma_start3A_98 = tpu.memref_slice %arg18[%mul3A_2] : memref<10240xf32, #tpu.memory_space<vmem_shared>> -> memref<640xf32, #tpu.memory_space<vmem_shared>>
      %dma_start3A_99 = tpu.memref_slice %arg18[%mul3A_2] : memref<10240xf32, #tpu.memory_space<vmem_shared>> -> memref<640xf32, #tpu.memory_space<vmem_shared>>
      tpu.enqueue_dma source(%arg17 : memref<640xf32, #tpu.memory_space<vmem>>) target(%dma_start3A_99 : memref<640xf32, #tpu.memory_space<vmem_shared>>) target_semaphore(%run_scoped3A : memref<!tpu.dma_semaphore, #tpu.memory_space<semaphore_mem>>)
      %dma_wait3A_100 = tpu.memref_slice %arg18[%mul3A_2] : memref<10240xf32, #tpu.memory_space<vmem_shared>> -> memref<640xf32, #tpu.memory_space<vmem_shared>>
      %dma_wait3A_101 = tpu.memref_slice %arg18[%mul3A_2] : memref<10240xf32, #tpu.memory_space<vmem_shared>> -> memref<640xf32, #tpu.memory_space<vmem_shared>>
      tpu.wait_dma2 semaphore(%run_scoped3A : memref<!tpu.dma_semaphore, #tpu.memory_space<semaphore_mem>>) src(%arg17 : memref<640xf32, #tpu.memory_space<vmem>>) dst(%dma_wait3A_101 : memref<640xf32, #tpu.memory_space<vmem_shared>>)
      tpu.yield
    }) : () -> ()
    %barrier3A = arith.constant 0 : index
    tpu.barrier barrier_id(%barrier3A)
    %dma_start3A = arith.constant 0 : i32
    %dma_start3A_47 = arith.constant 0 : i32
    %dma_start3A_48 = tpu.memref_slice %arg7[%dma_start3A, %dma_start3A_47] : memref<125x80xi32, #tpu.memory_space<vmem>> -> memref<1x80xi32, #tpu.memory_space<vmem>>
    %dma_start3A_49 = tpu.memref_squeeze %dma_start3A_48 : memref<1x80xi32, #tpu.memory_space<vmem>> -> memref<80xi32, #tpu.memory_space<vmem>>
    %dma_start3A_50 = arith.constant 0 : i32
    %dma_start3A_51 = arith.constant 0 : i32
    %dma_start3A_52 = tpu.memref_slice %arg2[%dma_start3A_50, %dma_start3A_51] : memref<10000x128xf32, #tpu.memory_space<hbm>> -> memref<10000x128xf32, #tpu.memory_space<hbm>>
    tpu.enqueue_indirect_dma source(%dma_start3A_52 : memref<10000x128xf32, #tpu.memory_space<hbm>>) target(%arg10 : memref<80x128xf32, #tpu.memory_space<vmem>>) offsets(%dma_start3A_49 : memref<80xi32, #tpu.memory_space<vmem>>) semaphore(%arg12 : memref<!tpu.dma_semaphore, #tpu.memory_space<semaphore_mem>>)
    %dma_start3A_53 = arith.constant 1 : i32
    %dma_start3A_54 = arith.constant 0 : i32
    %dma_start3A_55 = tpu.memref_slice %arg7[%dma_start3A_53, %dma_start3A_54] : memref<125x80xi32, #tpu.memory_space<vmem>> -> memref<1x80xi32, #tpu.memory_space<vmem>>
    %dma_start3A_56 = tpu.memref_squeeze %dma_start3A_55 : memref<1x80xi32, #tpu.memory_space<vmem>> -> memref<80xi32, #tpu.memory_space<vmem>>
    %dma_start3A_57 = arith.constant 0 : i32
    %dma_start3A_58 = arith.constant 0 : i32
    %dma_start3A_59 = tpu.memref_slice %arg2[%dma_start3A_57, %dma_start3A_58] : memref<10000x128xf32, #tpu.memory_space<hbm>> -> memref<10000x128xf32, #tpu.memory_space<hbm>>
    tpu.enqueue_indirect_dma source(%dma_start3A_59 : memref<10000x128xf32, #tpu.memory_space<hbm>>) target(%arg11 : memref<80x128xf32, #tpu.memory_space<vmem>>) offsets(%dma_start3A_56 : memref<80xi32, #tpu.memory_space<vmem>>) semaphore(%arg13 : memref<!tpu.dma_semaphore, #tpu.memory_space<semaphore_mem>>)
    %scan3A_60 = arith.constant 0 : i32
    %scan3A_61 = arith.constant 62 : i32
    %scan3A_62 = arith.addi %scan3A_60, %scan3A_61 : i32
    %scan3A_63 = arith.constant 1 : i32
    scf.for %scan3A_98 = %scan3A_60 to %scan3A_62 step %scan3A_63  : i32 {
      %mul3A_99 = arith.constant 1 : i32
      %mul3A_100 = arith.muli %scan3A_98, %mul3A_99 : i32
      %add3A_101 = arith.constant 0 : i32
      %add3A_102 = arith.addi %add3A_101, %mul3A_100 : i32
      %mul3A_103 = arith.constant 2 : i32
      %mul3A_104 = arith.muli %add3A_102, %mul3A_103 : i32
      %dma_wait3A_105 = arith.constant 0 : i32
      %dma_wait3A_106 = tpu.memref_slice %arg7[%mul3A_104, %dma_wait3A_105] : memref<125x80xi32, #tpu.memory_space<vmem>> -> memref<1x80xi32, #tpu.memory_space<vmem>>
      %dma_wait3A_107 = tpu.memref_squeeze %dma_wait3A_106 : memref<1x80xi32, #tpu.memory_space<vmem>> -> memref<80xi32, #tpu.memory_space<vmem>>
      %dma_wait3A_108 = arith.constant 0 : i32
      %dma_wait3A_109 = arith.constant 0 : i32
      %dma_wait3A_110 = tpu.memref_slice %arg2[%dma_wait3A_108, %dma_wait3A_109] : memref<10000x128xf32, #tpu.memory_space<hbm>> -> memref<10000x128xf32, #tpu.memory_space<hbm>>
      tpu.wait_indirect_dma semaphore(%arg12 : memref<!tpu.dma_semaphore, #tpu.memory_space<semaphore_mem>>) src(%dma_wait3A_110 : memref<10000x128xf32, #tpu.memory_space<hbm>>) dst(%arg10 : memref<80x128xf32, #tpu.memory_space<vmem>>)
      %dma_start3A_111 = arith.constant 0 : i32
      %dma_start3A_112 = tpu.memref_slice %arg8[%mul3A_104, %dma_start3A_111] : memref<125x80xi32, #tpu.memory_space<vmem>> -> memref<1x80xi32, #tpu.memory_space<vmem>>
      %dma_start3A_113 = tpu.memref_squeeze %dma_start3A_112 : memref<1x80xi32, #tpu.memory_space<vmem>> -> memref<80xi32, #tpu.memory_space<vmem>>
      %dma_start3A_114 = arith.constant 0 : i32
      %dma_start3A_115 = tpu.memref_slice %arg18[%dma_start3A_114] : memref<10240xf32, #tpu.memory_space<vmem_shared>> -> memref<10240xf32, #tpu.memory_space<vmem_shared>>
      tpu.enqueue_indirect_dma source(%arg16 : memref<80xf32, #tpu.memory_space<vmem>>) target(%dma_start3A_115 : memref<10240xf32, #tpu.memory_space<vmem_shared>>) offsets(%dma_start3A_113 : memref<80xi32, #tpu.memory_space<vmem>>) semaphore(%arg19 : memref<!tpu.dma_semaphore, #tpu.memory_space<semaphore_mem>>) {add = true}
      %dma_start3A_116 = arith.constant 0 : i32
      %dma_start3A_117 = tpu.memref_slice %arg8[%mul3A_104, %dma_start3A_116] : memref<125x80xi32, #tpu.memory_space<vmem>> -> memref<1x80xi32, #tpu.memory_space<vmem>>
      %dma_start3A_118 = tpu.memref_squeeze %dma_start3A_117 : memref<1x80xi32, #tpu.memory_space<vmem>> -> memref<80xi32, #tpu.memory_space<vmem>>
      %dma_start3A_119 = arith.constant 0 : i32
      %dma_start3A_120 = arith.constant 0 : i32
      %dma_start3A_121 = tpu.memref_slice %arg9[%dma_start3A_119, %dma_start3A_120] : memref<10240x128xf32, #tpu.memory_space<vmem_shared>> -> memref<10240x128xf32, #tpu.memory_space<vmem_shared>>
      tpu.enqueue_indirect_dma source(%arg10 : memref<80x128xf32, #tpu.memory_space<vmem>>) target(%dma_start3A_121 : memref<10240x128xf32, #tpu.memory_space<vmem_shared>>) offsets(%dma_start3A_118 : memref<80xi32, #tpu.memory_space<vmem>>) semaphore(%arg14 : memref<!tpu.dma_semaphore, #tpu.memory_space<semaphore_mem>>) {add = true}
      %dma_wait3A_122 = arith.constant 0 : i32
      %dma_wait3A_123 = tpu.memref_slice %arg8[%mul3A_104, %dma_wait3A_122] : memref<125x80xi32, #tpu.memory_space<vmem>> -> memref<1x80xi32, #tpu.memory_space<vmem>>
      %dma_wait3A_124 = tpu.memref_squeeze %dma_wait3A_123 : memref<1x80xi32, #tpu.memory_space<vmem>> -> memref<80xi32, #tpu.memory_space<vmem>>
      %dma_wait3A_125 = arith.constant 0 : i32
      %dma_wait3A_126 = arith.constant 0 : i32
      %dma_wait3A_127 = tpu.memref_slice %arg9[%dma_wait3A_125, %dma_wait3A_126] : memref<10240x128xf32, #tpu.memory_space<vmem_shared>> -> memref<10240x128xf32, #tpu.memory_space<vmem_shared>>
      tpu.wait_indirect_dma semaphore(%arg14 : memref<!tpu.dma_semaphore, #tpu.memory_space<semaphore_mem>>) src(%arg10 : memref<80x128xf32, #tpu.memory_space<vmem>>) dst(%dma_wait3A_127 : memref<10240x128xf32, #tpu.memory_space<vmem_shared>>)
      %add3A_128 = arith.constant 2 : i32
      %add3A_129 = arith.addi %mul3A_104, %add3A_128 : i32
      %dma_start3A_130 = arith.constant 0 : i32
      %dma_start3A_131 = tpu.memref_slice %arg7[%add3A_129, %dma_start3A_130] : memref<125x80xi32, #tpu.memory_space<vmem>> -> memref<1x80xi32, #tpu.memory_space<vmem>>
      %dma_start3A_132 = tpu.memref_squeeze %dma_start3A_131 : memref<1x80xi32, #tpu.memory_space<vmem>> -> memref<80xi32, #tpu.memory_space<vmem>>
      %dma_start3A_133 = arith.constant 0 : i32
      %dma_start3A_134 = arith.constant 0 : i32
      %dma_start3A_135 = tpu.memref_slice %arg2[%dma_start3A_133, %dma_start3A_134] : memref<10000x128xf32, #tpu.memory_space<hbm>> -> memref<10000x128xf32, #tpu.memory_space<hbm>>
      tpu.enqueue_indirect_dma source(%dma_start3A_135 : memref<10000x128xf32, #tpu.memory_space<hbm>>) target(%arg10 : memref<80x128xf32, #tpu.memory_space<vmem>>) offsets(%dma_start3A_132 : memref<80xi32, #tpu.memory_space<vmem>>) semaphore(%arg12 : memref<!tpu.dma_semaphore, #tpu.memory_space<semaphore_mem>>)
      %add3A_136 = arith.constant 1 : i32
      %add3A_137 = arith.addi %mul3A_104, %add3A_136 : i32
      %dma_wait3A_138 = arith.constant 0 : i32
      %dma_wait3A_139 = tpu.memref_slice %arg7[%add3A_137, %dma_wait3A_138] : memref<125x80xi32, #tpu.memory_space<vmem>> -> memref<1x80xi32, #tpu.memory_space<vmem>>
      %dma_wait3A_140 = tpu.memref_squeeze %dma_wait3A_139 : memref<1x80xi32, #tpu.memory_space<vmem>> -> memref<80xi32, #tpu.memory_space<vmem>>
      %dma_wait3A_141 = arith.constant 0 : i32
      %dma_wait3A_142 = arith.constant 0 : i32
      %dma_wait3A_143 = tpu.memref_slice %arg2[%dma_wait3A_141, %dma_wait3A_142] : memref<10000x128xf32, #tpu.memory_space<hbm>> -> memref<10000x128xf32, #tpu.memory_space<hbm>>
      tpu.wait_indirect_dma semaphore(%arg13 : memref<!tpu.dma_semaphore, #tpu.memory_space<semaphore_mem>>) src(%dma_wait3A_143 : memref<10000x128xf32, #tpu.memory_space<hbm>>) dst(%arg11 : memref<80x128xf32, #tpu.memory_space<vmem>>)
      %add3A_144 = arith.constant 1 : i32
      %add3A_145 = arith.addi %mul3A_104, %add3A_144 : i32
      %dma_start3A_146 = arith.constant 0 : i32
      %dma_start3A_147 = tpu.memref_slice %arg8[%add3A_145, %dma_start3A_146] : memref<125x80xi32, #tpu.memory_space<vmem>> -> memref<1x80xi32, #tpu.memory_space<vmem>>
      %dma_start3A_148 = tpu.memref_squeeze %dma_start3A_147 : memref<1x80xi32, #tpu.memory_space<vmem>> -> memref<80xi32, #tpu.memory_space<vmem>>
      %dma_start3A_149 = arith.constant 0 : i32
      %dma_start3A_150 = tpu.memref_slice %arg18[%dma_start3A_149] : memref<10240xf32, #tpu.memory_space<vmem_shared>> -> memref<10240xf32, #tpu.memory_space<vmem_shared>>
      tpu.enqueue_indirect_dma source(%arg16 : memref<80xf32, #tpu.memory_space<vmem>>) target(%dma_start3A_150 : memref<10240xf32, #tpu.memory_space<vmem_shared>>) offsets(%dma_start3A_148 : memref<80xi32, #tpu.memory_space<vmem>>) semaphore(%arg19 : memref<!tpu.dma_semaphore, #tpu.memory_space<semaphore_mem>>) {add = true}
      %add3A_151 = arith.constant 1 : i32
      %add3A_152 = arith.addi %mul3A_104, %add3A_151 : i32
      %dma_start3A_153 = arith.constant 0 : i32
      %dma_start3A_154 = tpu.memref_slice %arg8[%add3A_152, %dma_start3A_153] : memref<125x80xi32, #tpu.memory_space<vmem>> -> memref<1x80xi32, #tpu.memory_space<vmem>>
      %dma_start3A_155 = tpu.memref_squeeze %dma_start3A_154 : memref<1x80xi32, #tpu.memory_space<vmem>> -> memref<80xi32, #tpu.memory_space<vmem>>
      %dma_start3A_156 = arith.constant 0 : i32
      %dma_start3A_157 = arith.constant 0 : i32
      %dma_start3A_158 = tpu.memref_slice %arg9[%dma_start3A_156, %dma_start3A_157] : memref<10240x128xf32, #tpu.memory_space<vmem_shared>> -> memref<10240x128xf32, #tpu.memory_space<vmem_shared>>
      tpu.enqueue_indirect_dma source(%arg11 : memref<80x128xf32, #tpu.memory_space<vmem>>) target(%dma_start3A_158 : memref<10240x128xf32, #tpu.memory_space<vmem_shared>>) offsets(%dma_start3A_155 : memref<80xi32, #tpu.memory_space<vmem>>) semaphore(%arg15 : memref<!tpu.dma_semaphore, #tpu.memory_space<semaphore_mem>>) {add = true}
      %add3A_159 = arith.constant 1 : i32
      %add3A_160 = arith.addi %mul3A_104, %add3A_159 : i32
      %dma_wait3A_161 = arith.constant 0 : i32
      %dma_wait3A_162 = tpu.memref_slice %arg8[%add3A_160, %dma_wait3A_161] : memref<125x80xi32, #tpu.memory_space<vmem>> -> memref<1x80xi32, #tpu.memory_space<vmem>>
      %dma_wait3A_163 = tpu.memref_squeeze %dma_wait3A_162 : memref<1x80xi32, #tpu.memory_space<vmem>> -> memref<80xi32, #tpu.memory_space<vmem>>
      %dma_wait3A_164 = arith.constant 0 : i32
      %dma_wait3A_165 = arith.constant 0 : i32
      %dma_wait3A_166 = tpu.memref_slice %arg9[%dma_wait3A_164, %dma_wait3A_165] : memref<10240x128xf32, #tpu.memory_space<vmem_shared>> -> memref<10240x128xf32, #tpu.memory_space<vmem_shared>>
      tpu.wait_indirect_dma semaphore(%arg15 : memref<!tpu.dma_semaphore, #tpu.memory_space<semaphore_mem>>) src(%arg11 : memref<80x128xf32, #tpu.memory_space<vmem>>) dst(%dma_wait3A_166 : memref<10240x128xf32, #tpu.memory_space<vmem_shared>>)
      %lt3A = arith.constant 61 : i32
      %lt3A_167 = arith.cmpi slt, %add3A_102, %lt3A : i32
      %convert_element_type3A = arith.extui %lt3A_167 : i1 to i32
      %cond3A = arith.constant 0 : i32
      %cond3A_168 = arith.cmpi ne, %convert_element_type3A, %cond3A : i32
      scf.if %cond3A_168 {
        %add3A_181 = arith.constant 3 : i32
        %add3A_182 = arith.addi %mul3A_104, %add3A_181 : i32
        %dma_start3A_183 = arith.constant 0 : i32
        %dma_start3A_184 = tpu.memref_slice %arg7[%add3A_182, %dma_start3A_183] : memref<125x80xi32, #tpu.memory_space<vmem>> -> memref<1x80xi32, #tpu.memory_space<vmem>>
        %dma_start3A_185 = tpu.memref_squeeze %dma_start3A_184 : memref<1x80xi32, #tpu.memory_space<vmem>> -> memref<80xi32, #tpu.memory_space<vmem>>
        %dma_start3A_186 = arith.constant 0 : i32
        %dma_start3A_187 = arith.constant 0 : i32
        %dma_start3A_188 = tpu.memref_slice %arg2[%dma_start3A_186, %dma_start3A_187] : memref<10000x128xf32, #tpu.memory_space<hbm>> -> memref<10000x128xf32, #tpu.memory_space<hbm>>
        tpu.enqueue_indirect_dma source(%dma_start3A_188 : memref<10000x128xf32, #tpu.memory_space<hbm>>) target(%arg11 : memref<80x128xf32, #tpu.memory_space<vmem>>) offsets(%dma_start3A_185 : memref<80xi32, #tpu.memory_space<vmem>>) semaphore(%arg13 : memref<!tpu.dma_semaphore, #tpu.memory_space<semaphore_mem>>)
      } else {
      }
      %dma_wait3A_169 = arith.constant 0 : i32
      %dma_wait3A_170 = tpu.memref_slice %arg8[%mul3A_104, %dma_wait3A_169] : memref<125x80xi32, #tpu.memory_space<vmem>> -> memref<1x80xi32, #tpu.memory_space<vmem>>
      %dma_wait3A_171 = tpu.memref_squeeze %dma_wait3A_170 : memref<1x80xi32, #tpu.memory_space<vmem>> -> memref<80xi32, #tpu.memory_space<vmem>>
      %dma_wait3A_172 = arith.constant 0 : i32
      %dma_wait3A_173 = tpu.memref_slice %arg18[%dma_wait3A_172] : memref<10240xf32, #tpu.memory_space<vmem_shared>> -> memref<10240xf32, #tpu.memory_space<vmem_shared>>
      tpu.wait_indirect_dma semaphore(%arg19 : memref<!tpu.dma_semaphore, #tpu.memory_space<semaphore_mem>>) src(%arg16 : memref<80xf32, #tpu.memory_space<vmem>>) dst(%dma_wait3A_173 : memref<10240xf32, #tpu.memory_space<vmem_shared>>)
      %add3A_174 = arith.constant 1 : i32
      %add3A_175 = arith.addi %mul3A_104, %add3A_174 : i32
      %dma_wait3A_176 = arith.constant 0 : i32
      %dma_wait3A_177 = tpu.memref_slice %arg8[%add3A_175, %dma_wait3A_176] : memref<125x80xi32, #tpu.memory_space<vmem>> -> memref<1x80xi32, #tpu.memory_space<vmem>>
      %dma_wait3A_178 = tpu.memref_squeeze %dma_wait3A_177 : memref<1x80xi32, #tpu.memory_space<vmem>> -> memref<80xi32, #tpu.memory_space<vmem>>
      %dma_wait3A_179 = arith.constant 0 : i32
      %dma_wait3A_180 = tpu.memref_slice %arg18[%dma_wait3A_179] : memref<10240xf32, #tpu.memory_space<vmem_shared>> -> memref<10240xf32, #tpu.memory_space<vmem_shared>>
      tpu.wait_indirect_dma semaphore(%arg19 : memref<!tpu.dma_semaphore, #tpu.memory_space<semaphore_mem>>) src(%arg16 : memref<80xf32, #tpu.memory_space<vmem>>) dst(%dma_wait3A_180 : memref<10240xf32, #tpu.memory_space<vmem_shared>>)
    }
    %scan3A_64 = arith.constant 62 : i32
    %dma_wait3A = arith.constant 124 : i32
    %dma_wait3A_65 = arith.constant 0 : i32
    %dma_wait3A_66 = tpu.memref_slice %arg7[%dma_wait3A, %dma_wait3A_65] : memref<125x80xi32, #tpu.memory_space<vmem>> -> memref<1x80xi32, #tpu.memory_space<vmem>>
    %dma_wait3A_67 = tpu.memref_squeeze %dma_wait3A_66 : memref<1x80xi32, #tpu.memory_space<vmem>> -> memref<80xi32, #tpu.memory_space<vmem>>
    %dma_wait3A_68 = arith.constant 0 : i32
    %dma_wait3A_69 = arith.constant 0 : i32
    %dma_wait3A_70 = tpu.memref_slice %arg2[%dma_wait3A_68, %dma_wait3A_69] : memref<10000x128xf32, #tpu.memory_space<hbm>> -> memref<10000x128xf32, #tpu.memory_space<hbm>>
    tpu.wait_indirect_dma semaphore(%arg12 : memref<!tpu.dma_semaphore, #tpu.memory_space<semaphore_mem>>) src(%dma_wait3A_70 : memref<10000x128xf32, #tpu.memory_space<hbm>>) dst(%arg10 : memref<80x128xf32, #tpu.memory_space<vmem>>)
    %dma_start3A_71 = arith.constant 124 : i32
    %dma_start3A_72 = arith.constant 0 : i32
    %dma_start3A_73 = tpu.memref_slice %arg8[%dma_start3A_71, %dma_start3A_72] : memref<125x80xi32, #tpu.memory_space<vmem>> -> memref<1x80xi32, #tpu.memory_space<vmem>>
    %dma_start3A_74 = tpu.memref_squeeze %dma_start3A_73 : memref<1x80xi32, #tpu.memory_space<vmem>> -> memref<80xi32, #tpu.memory_space<vmem>>
    %dma_start3A_75 = arith.constant 0 : i32
    %dma_start3A_76 = arith.constant 0 : i32
    %dma_start3A_77 = tpu.memref_slice %arg9[%dma_start3A_75, %dma_start3A_76] : memref<10240x128xf32, #tpu.memory_space<vmem_shared>> -> memref<10240x128xf32, #tpu.memory_space<vmem_shared>>
    tpu.enqueue_indirect_dma source(%arg10 : memref<80x128xf32, #tpu.memory_space<vmem>>) target(%dma_start3A_77 : memref<10240x128xf32, #tpu.memory_space<vmem_shared>>) offsets(%dma_start3A_74 : memref<80xi32, #tpu.memory_space<vmem>>) semaphore(%arg14 : memref<!tpu.dma_semaphore, #tpu.memory_space<semaphore_mem>>) {add = true}
    %dma_start3A_78 = arith.constant 124 : i32
    %dma_start3A_79 = arith.constant 0 : i32
    %dma_start3A_80 = tpu.memref_slice %arg8[%dma_start3A_78, %dma_start3A_79] : memref<125x80xi32, #tpu.memory_space<vmem>> -> memref<1x80xi32, #tpu.memory_space<vmem>>
    %dma_start3A_81 = tpu.memref_squeeze %dma_start3A_80 : memref<1x80xi32, #tpu.memory_space<vmem>> -> memref<80xi32, #tpu.memory_space<vmem>>
    %dma_start3A_82 = arith.constant 0 : i32
    %dma_start3A_83 = tpu.memref_slice %arg18[%dma_start3A_82] : memref<10240xf32, #tpu.memory_space<vmem_shared>> -> memref<10240xf32, #tpu.memory_space<vmem_shared>>
    tpu.enqueue_indirect_dma source(%arg16 : memref<80xf32, #tpu.memory_space<vmem>>) target(%dma_start3A_83 : memref<10240xf32, #tpu.memory_space<vmem_shared>>) offsets(%dma_start3A_81 : memref<80xi32, #tpu.memory_space<vmem>>) semaphore(%arg19 : memref<!tpu.dma_semaphore, #tpu.memory_space<semaphore_mem>>) {add = true}
    %dma_wait3A_84 = arith.constant 124 : i32
    %dma_wait3A_85 = arith.constant 0 : i32
    %dma_wait3A_86 = tpu.memref_slice %arg8[%dma_wait3A_84, %dma_wait3A_85] : memref<125x80xi32, #tpu.memory_space<vmem>> -> memref<1x80xi32, #tpu.memory_space<vmem>>
    %dma_wait3A_87 = tpu.memref_squeeze %dma_wait3A_86 : memref<1x80xi32, #tpu.memory_space<vmem>> -> memref<80xi32, #tpu.memory_space<vmem>>
    %dma_wait3A_88 = arith.constant 0 : i32
    %dma_wait3A_89 = arith.constant 0 : i32
    %dma_wait3A_90 = tpu.memref_slice %arg9[%dma_wait3A_88, %dma_wait3A_89] : memref<10240x128xf32, #tpu.memory_space<vmem_shared>> -> memref<10240x128xf32, #tpu.memory_space<vmem_shared>>
    tpu.wait_indirect_dma semaphore(%arg14 : memref<!tpu.dma_semaphore, #tpu.memory_space<semaphore_mem>>) src(%arg10 : memref<80x128xf32, #tpu.memory_space<vmem>>) dst(%dma_wait3A_90 : memref<10240x128xf32, #tpu.memory_space<vmem_shared>>)
    %dma_wait3A_91 = arith.constant 124 : i32
    %dma_wait3A_92 = arith.constant 0 : i32
    %dma_wait3A_93 = tpu.memref_slice %arg8[%dma_wait3A_91, %dma_wait3A_92] : memref<125x80xi32, #tpu.memory_space<vmem>> -> memref<1x80xi32, #tpu.memory_space<vmem>>
    %dma_wait3A_94 = tpu.memref_squeeze %dma_wait3A_93 : memref<1x80xi32, #tpu.memory_space<vmem>> -> memref<80xi32, #tpu.memory_space<vmem>>
    %dma_wait3A_95 = arith.constant 0 : i32
    %dma_wait3A_96 = tpu.memref_slice %arg18[%dma_wait3A_95] : memref<10240xf32, #tpu.memory_space<vmem_shared>> -> memref<10240xf32, #tpu.memory_space<vmem_shared>>
    tpu.wait_indirect_dma semaphore(%arg19 : memref<!tpu.dma_semaphore, #tpu.memory_space<semaphore_mem>>) src(%arg16 : memref<80xf32, #tpu.memory_space<vmem>>) dst(%dma_wait3A_96 : memref<10240xf32, #tpu.memory_space<vmem_shared>>)
    %barrier3A_97 = arith.constant 0 : index
    tpu.barrier barrier_id(%barrier3A_97)
    "tpu.region"() ({
      %run_scoped3A = tpu.sem_alloc : memref<!tpu.dma_semaphore, #tpu.memory_space<semaphore_mem>>
      %dma_start3A_98 = arith.constant 0 : i32
      %dma_start3A_99 = tpu.memref_slice %arg5[%arg0, %mul3A_2, %dma_start3A_98] : memref<2x10240x128xf32, #tpu.memory_space<hbm>> -> memref<1x640x128xf32, #tpu.memory_space<hbm>>
      %dma_start3A_100 = tpu.memref_squeeze %dma_start3A_99 : memref<1x640x128xf32, #tpu.memory_space<hbm>> -> memref<640x128xf32, #tpu.memory_space<hbm>>
      %dma_start3A_101 = arith.constant 0 : i32
      %dma_start3A_102 = tpu.memref_slice %arg9[%mul3A_2, %dma_start3A_101] : memref<10240x128xf32, #tpu.memory_space<vmem_shared>> -> memref<640x128xf32, #tpu.memory_space<vmem_shared>>
      tpu.enqueue_dma source(%dma_start3A_102 : memref<640x128xf32, #tpu.memory_space<vmem_shared>>) target(%dma_start3A_100 : memref<640x128xf32, #tpu.memory_space<hbm>>) target_semaphore(%run_scoped3A : memref<!tpu.dma_semaphore, #tpu.memory_space<semaphore_mem>>)
      %dma_wait3A_103 = arith.constant 0 : i32
      %dma_wait3A_104 = tpu.memref_slice %arg5[%arg0, %mul3A_2, %dma_wait3A_103] : memref<2x10240x128xf32, #tpu.memory_space<hbm>> -> memref<1x640x128xf32, #tpu.memory_space<hbm>>
      %dma_wait3A_105 = tpu.memref_squeeze %dma_wait3A_104 : memref<1x640x128xf32, #tpu.memory_space<hbm>> -> memref<640x128xf32, #tpu.memory_space<hbm>>
      %dma_wait3A_106 = arith.constant 0 : i32
      %dma_wait3A_107 = tpu.memref_slice %arg9[%mul3A_2, %dma_wait3A_106] : memref<10240x128xf32, #tpu.memory_space<vmem_shared>> -> memref<640x128xf32, #tpu.memory_space<vmem_shared>>
      tpu.wait_dma2 semaphore(%run_scoped3A : memref<!tpu.dma_semaphore, #tpu.memory_space<semaphore_mem>>) src(%dma_wait3A_107 : memref<640x128xf32, #tpu.memory_space<vmem_shared>>) dst(%dma_wait3A_105 : memref<640x128xf32, #tpu.memory_space<hbm>>)
      tpu.yield
    }) : () -> ()
    "tpu.region"() ({
      %run_scoped3A = tpu.sem_alloc : memref<!tpu.dma_semaphore, #tpu.memory_space<semaphore_mem>>
      %dma_start3A_98 = tpu.memref_slice %arg6[%arg0, %mul3A_2] : memref<2x10240xf32, #tpu.memory_space<hbm>> -> memref<1x640xf32, #tpu.memory_space<hbm>>
      %dma_start3A_99 = tpu.memref_squeeze %dma_start3A_98 : memref<1x640xf32, #tpu.memory_space<hbm>> -> memref<640xf32, #tpu.memory_space<hbm>>
      %dma_start3A_100 = tpu.memref_slice %arg18[%mul3A_2] : memref<10240xf32, #tpu.memory_space<vmem_shared>> -> memref<640xf32, #tpu.memory_space<vmem_shared>>
      tpu.enqueue_dma source(%dma_start3A_100 : memref<640xf32, #tpu.memory_space<vmem_shared>>) target(%dma_start3A_99 : memref<640xf32, #tpu.memory_space<hbm>>) target_semaphore(%run_scoped3A : memref<!tpu.dma_semaphore, #tpu.memory_space<semaphore_mem>>)
      %dma_wait3A_101 = tpu.memref_slice %arg6[%arg0, %mul3A_2] : memref<2x10240xf32, #tpu.memory_space<hbm>> -> memref<1x640xf32, #tpu.memory_space<hbm>>
      %dma_wait3A_102 = tpu.memref_squeeze %dma_wait3A_101 : memref<1x640xf32, #tpu.memory_space<hbm>> -> memref<640xf32, #tpu.memory_space<hbm>>
      %dma_wait3A_103 = tpu.memref_slice %arg18[%mul3A_2] : memref<10240xf32, #tpu.memory_space<vmem_shared>> -> memref<640xf32, #tpu.memory_space<vmem_shared>>
      tpu.wait_dma2 semaphore(%run_scoped3A : memref<!tpu.dma_semaphore, #tpu.memory_space<semaphore_mem>>) src(%dma_wait3A_103 : memref<640xf32, #tpu.memory_space<vmem_shared>>) dst(%dma_wait3A_102 : memref<640xf32, #tpu.memory_space<hbm>>)
      tpu.yield
    }) : () -> ()
    return
  }
}

#map = affine_map<(d0, d1) -> (0, 0)>
#map1 = affine_map<(d0, d1) -> (0, 0, 0)>
module attributes {stable_mosaic.version = 14 : i64} {
  func.func @body(%arg0: i32, %arg1: i32, %arg2: memref<10000x32xf32, #tpu.memory_space<hbm>>, %arg3: memref<32x125x80xi32, #tpu.memory_space<hbm>>, %arg4: memref<32x125x80xi32, #tpu.memory_space<hbm>>, %arg5: memref<2x10240x32xf32, #tpu.memory_space<hbm>>, %arg6: memref<125x80xi32, #tpu.memory_space<vmem>>, %arg7: memref<125x80xi32, #tpu.memory_space<vmem>>, %arg8: memref<10240x32xf32, #tpu.memory_space<vmem_shared>>, %arg9: memref<80x32xf32, #tpu.memory_space<vmem>>, %arg10: memref<80x32xf32, #tpu.memory_space<vmem>>, %arg11: memref<80x32xf32, #tpu.memory_space<vmem>>, %arg12: memref<80x32xf32, #tpu.memory_space<vmem>>, %arg13: memref<80x32xf32, #tpu.memory_space<vmem>>, %arg14: memref<!tpu.dma_semaphore, #tpu.memory_space<semaphore_mem>>, %arg15: memref<!tpu.dma_semaphore, #tpu.memory_space<semaphore_mem>>, %arg16: memref<!tpu.dma_semaphore, #tpu.memory_space<semaphore_mem>>, %arg17: memref<!tpu.dma_semaphore, #tpu.memory_space<semaphore_mem>>, %arg18: memref<!tpu.dma_semaphore, #tpu.memory_space<semaphore_mem>>, %arg19: memref<!tpu.dma_semaphore, #tpu.memory_space<semaphore_mem>>, %arg20: memref<!tpu.dma_semaphore, #tpu.memory_space<semaphore_mem>>, %arg21: memref<!tpu.dma_semaphore, #tpu.memory_space<semaphore_mem>>, %arg22: memref<!tpu.dma_semaphore, #tpu.memory_space<semaphore_mem>>, %arg23: memref<!tpu.dma_semaphore, #tpu.memory_space<semaphore_mem>>) attributes {dimension_semantics = [#tpu.dimension_semantics<core_parallel>, #tpu.dimension_semantics<subcore_parallel>], iteration_bounds = array<i64: 2, 16>, scalar_prefetch = 0 : i64, scratch_operands = 18 : i64, tpu.core_type = #tpu.core_type<sc_vector_subcore>, window_params = [{transform_indices = #map}, {transform_indices = #map1}, {transform_indices = #map1}, {transform_indices = #map1}]} {
    %mul3A = arith.constant 16 : i32
    %mul3A_0 = arith.muli %arg0, %mul3A : i32
    %add3A = arith.addi %mul3A_0, %arg1 : i32
    %mul3A_1 = arith.constant 640 : i32
    %mul3A_2 = arith.muli %arg1, %mul3A_1 : i32
    %broadcast_in_dim3A = arith.constant 0.000000e+00 : f32
    %broadcast_in_dim3A_3 = vector.broadcast %broadcast_in_dim3A : f32 to vector<16xf32>
    %scan3A = arith.constant 0 : i32
    %scan3A_4 = arith.constant 80 : i32
    %scan3A_5 = arith.addi %scan3A, %scan3A_4 : i32
    %scan3A_6 = arith.constant 1 : i32
    scf.for %scan3A_53 = %scan3A to %scan3A_5 step %scan3A_6  : i32 {
      %mul3A_54 = arith.constant 1 : i32
      %mul3A_55 = arith.muli %scan3A_53, %mul3A_54 : i32
      %add3A_56 = arith.constant 0 : i32
      %add3A_57 = arith.addi %add3A_56, %mul3A_55 : i32
      %swap3A = arith.index_cast %add3A_57 : i32 to index
      %swap3A_58 = arith.constant 0 : index
      %swap3A_59 = tpu.vector_load %arg9[%swap3A, %swap3A_58] {strides = array<i32>} : memref<80x32xf32, #tpu.memory_space<vmem>>, vector<1x16xf32>,
      %swap3A_60 = vector.shape_cast %swap3A_59 : vector<1x16xf32> to vector<16xf32>
      %swap3A_61 = vector.shape_cast %broadcast_in_dim3A_3 : vector<16xf32> to vector<1x16xf32>
      tpu.vector_store %arg9[%swap3A, %swap3A_58], %swap3A_61 {strides = array<i32>} : memref<80x32xf32, #tpu.memory_space<vmem>>, vector<1x16xf32>,
      %swap3A_62 = arith.index_cast %add3A_57 : i32 to index
      %swap3A_63 = arith.constant 16 : index
      %swap3A_64 = tpu.vector_load %arg9[%swap3A_62, %swap3A_63] {strides = array<i32>} : memref<80x32xf32, #tpu.memory_space<vmem>>, vector<1x16xf32>,
      %swap3A_65 = vector.shape_cast %swap3A_64 : vector<1x16xf32> to vector<16xf32>
      %swap3A_66 = vector.shape_cast %broadcast_in_dim3A_3 : vector<16xf32> to vector<1x16xf32>
      tpu.vector_store %arg9[%swap3A_62, %swap3A_63], %swap3A_66 {strides = array<i32>} : memref<80x32xf32, #tpu.memory_space<vmem>>, vector<1x16xf32>,
    }
    %scan3A_7 = arith.constant 80 : i32
    "tpu.region"() ({
      %run_scoped3A = tpu.sem_alloc : memref<!tpu.dma_semaphore, #tpu.memory_space<semaphore_mem>>
      %dma_start3A_53 = arith.constant 0 : i32
      %dma_start3A_54 = arith.constant 0 : i32
      %dma_start3A_55 = tpu.memref_slice %arg3[%add3A, %dma_start3A_53, %dma_start3A_54] : memref<32x125x80xi32, #tpu.memory_space<hbm>> -> memref<1x125x80xi32, #tpu.memory_space<hbm>>
      %dma_start3A_56 = tpu.memref_squeeze %dma_start3A_55 : memref<1x125x80xi32, #tpu.memory_space<hbm>> -> memref<125x80xi32, #tpu.memory_space<hbm>>
      %dma_start3A_57 = arith.constant 0 : i32
      %dma_start3A_58 = arith.constant 0 : i32
      %dma_start3A_59 = tpu.memref_slice %arg3[%add3A, %dma_start3A_57, %dma_start3A_58] : memref<32x125x80xi32, #tpu.memory_space<hbm>> -> memref<1x125x80xi32, #tpu.memory_space<hbm>>
      %dma_start3A_60 = tpu.memref_squeeze %dma_start3A_59 : memref<1x125x80xi32, #tpu.memory_space<hbm>> -> memref<125x80xi32, #tpu.memory_space<hbm>>
      tpu.enqueue_dma source(%dma_start3A_60 : memref<125x80xi32, #tpu.memory_space<hbm>>) target(%arg6 : memref<125x80xi32, #tpu.memory_space<vmem>>) target_semaphore(%run_scoped3A : memref<!tpu.dma_semaphore, #tpu.memory_space<semaphore_mem>>)
      %dma_wait3A = arith.constant 0 : i32
      %dma_wait3A_61 = arith.constant 0 : i32
      %dma_wait3A_62 = tpu.memref_slice %arg3[%add3A, %dma_wait3A, %dma_wait3A_61] : memref<32x125x80xi32, #tpu.memory_space<hbm>> -> memref<1x125x80xi32, #tpu.memory_space<hbm>>
      %dma_wait3A_63 = tpu.memref_squeeze %dma_wait3A_62 : memref<1x125x80xi32, #tpu.memory_space<hbm>> -> memref<125x80xi32, #tpu.memory_space<hbm>>
      %dma_wait3A_64 = arith.constant 0 : i32
      %dma_wait3A_65 = arith.constant 0 : i32
      %dma_wait3A_66 = tpu.memref_slice %arg3[%add3A, %dma_wait3A_64, %dma_wait3A_65] : memref<32x125x80xi32, #tpu.memory_space<hbm>> -> memref<1x125x80xi32, #tpu.memory_space<hbm>>
      %dma_wait3A_67 = tpu.memref_squeeze %dma_wait3A_66 : memref<1x125x80xi32, #tpu.memory_space<hbm>> -> memref<125x80xi32, #tpu.memory_space<hbm>>
      tpu.wait_dma2 semaphore(%run_scoped3A : memref<!tpu.dma_semaphore, #tpu.memory_space<semaphore_mem>>) src(%dma_wait3A_67 : memref<125x80xi32, #tpu.memory_space<hbm>>) dst(%arg6 : memref<125x80xi32, #tpu.memory_space<vmem>>)
      tpu.yield
    }) : () -> ()
    "tpu.region"() ({
      %run_scoped3A = tpu.sem_alloc : memref<!tpu.dma_semaphore, #tpu.memory_space<semaphore_mem>>
      %dma_start3A_53 = arith.constant 0 : i32
      %dma_start3A_54 = arith.constant 0 : i32
      %dma_start3A_55 = tpu.memref_slice %arg4[%add3A, %dma_start3A_53, %dma_start3A_54] : memref<32x125x80xi32, #tpu.memory_space<hbm>> -> memref<1x125x80xi32, #tpu.memory_space<hbm>>
      %dma_start3A_56 = tpu.memref_squeeze %dma_start3A_55 : memref<1x125x80xi32, #tpu.memory_space<hbm>> -> memref<125x80xi32, #tpu.memory_space<hbm>>
      %dma_start3A_57 = arith.constant 0 : i32
      %dma_start3A_58 = arith.constant 0 : i32
      %dma_start3A_59 = tpu.memref_slice %arg4[%add3A, %dma_start3A_57, %dma_start3A_58] : memref<32x125x80xi32, #tpu.memory_space<hbm>> -> memref<1x125x80xi32, #tpu.memory_space<hbm>>
      %dma_start3A_60 = tpu.memref_squeeze %dma_start3A_59 : memref<1x125x80xi32, #tpu.memory_space<hbm>> -> memref<125x80xi32, #tpu.memory_space<hbm>>
      tpu.enqueue_dma source(%dma_start3A_60 : memref<125x80xi32, #tpu.memory_space<hbm>>) target(%arg7 : memref<125x80xi32, #tpu.memory_space<vmem>>) target_semaphore(%run_scoped3A : memref<!tpu.dma_semaphore, #tpu.memory_space<semaphore_mem>>)
      %dma_wait3A = arith.constant 0 : i32
      %dma_wait3A_61 = arith.constant 0 : i32
      %dma_wait3A_62 = tpu.memref_slice %arg4[%add3A, %dma_wait3A, %dma_wait3A_61] : memref<32x125x80xi32, #tpu.memory_space<hbm>> -> memref<1x125x80xi32, #tpu.memory_space<hbm>>
      %dma_wait3A_63 = tpu.memref_squeeze %dma_wait3A_62 : memref<1x125x80xi32, #tpu.memory_space<hbm>> -> memref<125x80xi32, #tpu.memory_space<hbm>>
      %dma_wait3A_64 = arith.constant 0 : i32
      %dma_wait3A_65 = arith.constant 0 : i32
      %dma_wait3A_66 = tpu.memref_slice %arg4[%add3A, %dma_wait3A_64, %dma_wait3A_65] : memref<32x125x80xi32, #tpu.memory_space<hbm>> -> memref<1x125x80xi32, #tpu.memory_space<hbm>>
      %dma_wait3A_67 = tpu.memref_squeeze %dma_wait3A_66 : memref<1x125x80xi32, #tpu.memory_space<hbm>> -> memref<125x80xi32, #tpu.memory_space<hbm>>
      tpu.wait_dma2 semaphore(%run_scoped3A : memref<!tpu.dma_semaphore, #tpu.memory_space<semaphore_mem>>) src(%dma_wait3A_67 : memref<125x80xi32, #tpu.memory_space<hbm>>) dst(%arg7 : memref<125x80xi32, #tpu.memory_space<vmem>>)
      tpu.yield
    }) : () -> ()
    %scan3A_8 = arith.constant 0 : i32
    %scan3A_9 = arith.constant 8 : i32
    %scan3A_10 = arith.addi %scan3A_8, %scan3A_9 : i32
    %scan3A_11 = arith.constant 1 : i32
    scf.for %scan3A_53 = %scan3A_8 to %scan3A_10 step %scan3A_11  : i32 {
      %mul3A_54 = arith.constant 1 : i32
      %mul3A_55 = arith.muli %scan3A_53, %mul3A_54 : i32
      %add3A_56 = arith.constant 0 : i32
      %add3A_57 = arith.addi %add3A_56, %mul3A_55 : i32
      %mul3A_58 = arith.constant 80 : i32
      %mul3A_59 = arith.muli %add3A_57, %mul3A_58 : i32
      %add3A_60 = arith.addi %mul3A_2, %mul3A_59 : i32
      "tpu.region"() ({
        %run_scoped3A = tpu.sem_alloc : memref<!tpu.dma_semaphore, #tpu.memory_space<semaphore_mem>>
        %dma_start3A_61 = arith.constant 0 : i32
        %dma_start3A_62 = tpu.memref_slice %arg8[%add3A_60, %dma_start3A_61] : memref<10240x32xf32, #tpu.memory_space<vmem_shared>> -> memref<80x32xf32, #tpu.memory_space<vmem_shared>>
        %dma_start3A_63 = arith.constant 0 : i32
        %dma_start3A_64 = tpu.memref_slice %arg8[%add3A_60, %dma_start3A_63] : memref<10240x32xf32, #tpu.memory_space<vmem_shared>> -> memref<80x32xf32, #tpu.memory_space<vmem_shared>>
        tpu.enqueue_dma source(%arg9 : memref<80x32xf32, #tpu.memory_space<vmem>>) target(%dma_start3A_64 : memref<80x32xf32, #tpu.memory_space<vmem_shared>>) target_semaphore(%run_scoped3A : memref<!tpu.dma_semaphore, #tpu.memory_space<semaphore_mem>>)
        %dma_wait3A = arith.constant 0 : i32
        %dma_wait3A_65 = tpu.memref_slice %arg8[%add3A_60, %dma_wait3A] : memref<10240x32xf32, #tpu.memory_space<vmem_shared>> -> memref<80x32xf32, #tpu.memory_space<vmem_shared>>
        %dma_wait3A_66 = arith.constant 0 : i32
        %dma_wait3A_67 = tpu.memref_slice %arg8[%add3A_60, %dma_wait3A_66] : memref<10240x32xf32, #tpu.memory_space<vmem_shared>> -> memref<80x32xf32, #tpu.memory_space<vmem_shared>>
        tpu.wait_dma2 semaphore(%run_scoped3A : memref<!tpu.dma_semaphore, #tpu.memory_space<semaphore_mem>>) src(%arg9 : memref<80x32xf32, #tpu.memory_space<vmem>>) dst(%dma_wait3A_67 : memref<80x32xf32, #tpu.memory_space<vmem_shared>>)
        tpu.yield
      }) : () -> ()
    }
    %scan3A_12 = arith.constant 8 : i32
    %barrier3A = arith.constant 0 : index
    tpu.barrier barrier_id(%barrier3A)
    %dma_start3A = arith.constant 0 : i32
    %dma_start3A_13 = arith.constant 0 : i32
    %dma_start3A_14 = tpu.memref_slice %arg6[%dma_start3A, %dma_start3A_13] : memref<125x80xi32, #tpu.memory_space<vmem>> -> memref<1x80xi32, #tpu.memory_space<vmem>>
    %dma_start3A_15 = tpu.memref_squeeze %dma_start3A_14 : memref<1x80xi32, #tpu.memory_space<vmem>> -> memref<80xi32, #tpu.memory_space<vmem>>
    %dma_start3A_16 = arith.constant 0 : i32
    %dma_start3A_17 = arith.constant 0 : i32
    %dma_start3A_18 = tpu.memref_slice %arg2[%dma_start3A_16, %dma_start3A_17] : memref<10000x32xf32, #tpu.memory_space<hbm>> -> memref<10000x32xf32, #tpu.memory_space<hbm>>
    tpu.enqueue_indirect_dma source(%dma_start3A_18 : memref<10000x32xf32, #tpu.memory_space<hbm>>) target(%arg9 : memref<80x32xf32, #tpu.memory_space<vmem>>) offsets(%dma_start3A_15 : memref<80xi32, #tpu.memory_space<vmem>>) semaphore(%arg14 : memref<!tpu.dma_semaphore, #tpu.memory_space<semaphore_mem>>)
    %dma_start3A_19 = arith.constant 1 : i32
    %dma_start3A_20 = arith.constant 0 : i32
    %dma_start3A_21 = tpu.memref_slice %arg6[%dma_start3A_19, %dma_start3A_20] : memref<125x80xi32, #tpu.memory_space<vmem>> -> memref<1x80xi32, #tpu.memory_space<vmem>>
    %dma_start3A_22 = tpu.memref_squeeze %dma_start3A_21 : memref<1x80xi32, #tpu.memory_space<vmem>> -> memref<80xi32, #tpu.memory_space<vmem>>
    %dma_start3A_23 = arith.constant 0 : i32
    %dma_start3A_24 = arith.constant 0 : i32
    %dma_start3A_25 = tpu.memref_slice %arg2[%dma_start3A_23, %dma_start3A_24] : memref<10000x32xf32, #tpu.memory_space<hbm>> -> memref<10000x32xf32, #tpu.memory_space<hbm>>
    tpu.enqueue_indirect_dma source(%dma_start3A_25 : memref<10000x32xf32, #tpu.memory_space<hbm>>) target(%arg10 : memref<80x32xf32, #tpu.memory_space<vmem>>) offsets(%dma_start3A_22 : memref<80xi32, #tpu.memory_space<vmem>>) semaphore(%arg15 : memref<!tpu.dma_semaphore, #tpu.memory_space<semaphore_mem>>)
    %dma_start3A_26 = arith.constant 2 : i32
    %dma_start3A_27 = arith.constant 0 : i32
    %dma_start3A_28 = tpu.memref_slice %arg6[%dma_start3A_26, %dma_start3A_27] : memref<125x80xi32, #tpu.memory_space<vmem>> -> memref<1x80xi32, #tpu.memory_space<vmem>>
    %dma_start3A_29 = tpu.memref_squeeze %dma_start3A_28 : memref<1x80xi32, #tpu.memory_space<vmem>> -> memref<80xi32, #tpu.memory_space<vmem>>
    %dma_start3A_30 = arith.constant 0 : i32
    %dma_start3A_31 = arith.constant 0 : i32
    %dma_start3A_32 = tpu.memref_slice %arg2[%dma_start3A_30, %dma_start3A_31] : memref<10000x32xf32, #tpu.memory_space<hbm>> -> memref<10000x32xf32, #tpu.memory_space<hbm>>
    tpu.enqueue_indirect_dma source(%dma_start3A_32 : memref<10000x32xf32, #tpu.memory_space<hbm>>) target(%arg11 : memref<80x32xf32, #tpu.memory_space<vmem>>) offsets(%dma_start3A_29 : memref<80xi32, #tpu.memory_space<vmem>>) semaphore(%arg16 : memref<!tpu.dma_semaphore, #tpu.memory_space<semaphore_mem>>)
    %dma_start3A_33 = arith.constant 3 : i32
    %dma_start3A_34 = arith.constant 0 : i32
    %dma_start3A_35 = tpu.memref_slice %arg6[%dma_start3A_33, %dma_start3A_34] : memref<125x80xi32, #tpu.memory_space<vmem>> -> memref<1x80xi32, #tpu.memory_space<vmem>>
    %dma_start3A_36 = tpu.memref_squeeze %dma_start3A_35 : memref<1x80xi32, #tpu.memory_space<vmem>> -> memref<80xi32, #tpu.memory_space<vmem>>
    %dma_start3A_37 = arith.constant 0 : i32
    %dma_start3A_38 = arith.constant 0 : i32
    %dma_start3A_39 = tpu.memref_slice %arg2[%dma_start3A_37, %dma_start3A_38] : memref<10000x32xf32, #tpu.memory_space<hbm>> -> memref<10000x32xf32, #tpu.memory_space<hbm>>
    tpu.enqueue_indirect_dma source(%dma_start3A_39 : memref<10000x32xf32, #tpu.memory_space<hbm>>) target(%arg12 : memref<80x32xf32, #tpu.memory_space<vmem>>) offsets(%dma_start3A_36 : memref<80xi32, #tpu.memory_space<vmem>>) semaphore(%arg17 : memref<!tpu.dma_semaphore, #tpu.memory_space<semaphore_mem>>)
    %dma_start3A_40 = arith.constant 4 : i32
    %dma_start3A_41 = arith.constant 0 : i32
    %dma_start3A_42 = tpu.memref_slice %arg6[%dma_start3A_40, %dma_start3A_41] : memref<125x80xi32, #tpu.memory_space<vmem>> -> memref<1x80xi32, #tpu.memory_space<vmem>>
    %dma_start3A_43 = tpu.memref_squeeze %dma_start3A_42 : memref<1x80xi32, #tpu.memory_space<vmem>> -> memref<80xi32, #tpu.memory_space<vmem>>
    %dma_start3A_44 = arith.constant 0 : i32
    %dma_start3A_45 = arith.constant 0 : i32
    %dma_start3A_46 = tpu.memref_slice %arg2[%dma_start3A_44, %dma_start3A_45] : memref<10000x32xf32, #tpu.memory_space<hbm>> -> memref<10000x32xf32, #tpu.memory_space<hbm>>
    tpu.enqueue_indirect_dma source(%dma_start3A_46 : memref<10000x32xf32, #tpu.memory_space<hbm>>) target(%arg13 : memref<80x32xf32, #tpu.memory_space<vmem>>) offsets(%dma_start3A_43 : memref<80xi32, #tpu.memory_space<vmem>>) semaphore(%arg18 : memref<!tpu.dma_semaphore, #tpu.memory_space<semaphore_mem>>)
    %scan3A_47 = arith.constant 0 : i32
    %scan3A_48 = arith.constant 25 : i32
    %scan3A_49 = arith.addi %scan3A_47, %scan3A_48 : i32
    %scan3A_50 = arith.constant 1 : i32
    scf.for %scan3A_53 = %scan3A_47 to %scan3A_49 step %scan3A_50  : i32 {
      %mul3A_54 = arith.constant 1 : i32
      %mul3A_55 = arith.muli %scan3A_53, %mul3A_54 : i32
      %add3A_56 = arith.constant 0 : i32
      %add3A_57 = arith.addi %add3A_56, %mul3A_55 : i32
      %mul3A_58 = arith.constant 5 : i32
      %mul3A_59 = arith.muli %add3A_57, %mul3A_58 : i32
      %add3A_60 = arith.constant 0 : i32
      %add3A_61 = arith.addi %mul3A_59, %add3A_60 : i32
      %dma_wait3A = arith.constant 0 : i32
      %dma_wait3A_62 = tpu.memref_slice %arg6[%add3A_61, %dma_wait3A] : memref<125x80xi32, #tpu.memory_space<vmem>> -> memref<1x80xi32, #tpu.memory_space<vmem>>
      %dma_wait3A_63 = tpu.memref_squeeze %dma_wait3A_62 : memref<1x80xi32, #tpu.memory_space<vmem>> -> memref<80xi32, #tpu.memory_space<vmem>>
      %dma_wait3A_64 = arith.constant 0 : i32
      %dma_wait3A_65 = arith.constant 0 : i32
      %dma_wait3A_66 = tpu.memref_slice %arg2[%dma_wait3A_64, %dma_wait3A_65] : memref<10000x32xf32, #tpu.memory_space<hbm>> -> memref<10000x32xf32, #tpu.memory_space<hbm>>
      tpu.wait_indirect_dma semaphore(%arg14 : memref<!tpu.dma_semaphore, #tpu.memory_space<semaphore_mem>>) src(%dma_wait3A_66 : memref<10000x32xf32, #tpu.memory_space<hbm>>) dst(%arg9 : memref<80x32xf32, #tpu.memory_space<vmem>>)
      %dma_start3A_67 = arith.constant 0 : i32
      %dma_start3A_68 = tpu.memref_slice %arg7[%add3A_61, %dma_start3A_67] : memref<125x80xi32, #tpu.memory_space<vmem>> -> memref<1x80xi32, #tpu.memory_space<vmem>>
      %dma_start3A_69 = tpu.memref_squeeze %dma_start3A_68 : memref<1x80xi32, #tpu.memory_space<vmem>> -> memref<80xi32, #tpu.memory_space<vmem>>
      %dma_start3A_70 = arith.constant 0 : i32
      %dma_start3A_71 = arith.constant 0 : i32
      %dma_start3A_72 = tpu.memref_slice %arg8[%dma_start3A_70, %dma_start3A_71] : memref<10240x32xf32, #tpu.memory_space<vmem_shared>> -> memref<10240x32xf32, #tpu.memory_space<vmem_shared>>
      tpu.enqueue_indirect_dma source(%arg9 : memref<80x32xf32, #tpu.memory_space<vmem>>) target(%dma_start3A_72 : memref<10240x32xf32, #tpu.memory_space<vmem_shared>>) offsets(%dma_start3A_69 : memref<80xi32, #tpu.memory_space<vmem>>) semaphore(%arg19 : memref<!tpu.dma_semaphore, #tpu.memory_space<semaphore_mem>>) {add = true}
      %add3A_73 = arith.constant 1 : i32
      %add3A_74 = arith.addi %mul3A_59, %add3A_73 : i32
      %dma_wait3A_75 = arith.constant 0 : i32
      %dma_wait3A_76 = tpu.memref_slice %arg6[%add3A_74, %dma_wait3A_75] : memref<125x80xi32, #tpu.memory_space<vmem>> -> memref<1x80xi32, #tpu.memory_space<vmem>>
      %dma_wait3A_77 = tpu.memref_squeeze %dma_wait3A_76 : memref<1x80xi32, #tpu.memory_space<vmem>> -> memref<80xi32, #tpu.memory_space<vmem>>
      %dma_wait3A_78 = arith.constant 0 : i32
      %dma_wait3A_79 = arith.constant 0 : i32
      %dma_wait3A_80 = tpu.memref_slice %arg2[%dma_wait3A_78, %dma_wait3A_79] : memref<10000x32xf32, #tpu.memory_space<hbm>> -> memref<10000x32xf32, #tpu.memory_space<hbm>>
      tpu.wait_indirect_dma semaphore(%arg15 : memref<!tpu.dma_semaphore, #tpu.memory_space<semaphore_mem>>) src(%dma_wait3A_80 : memref<10000x32xf32, #tpu.memory_space<hbm>>) dst(%arg10 : memref<80x32xf32, #tpu.memory_space<vmem>>)
      %dma_start3A_81 = arith.constant 0 : i32
      %dma_start3A_82 = tpu.memref_slice %arg7[%add3A_74, %dma_start3A_81] : memref<125x80xi32, #tpu.memory_space<vmem>> -> memref<1x80xi32, #tpu.memory_space<vmem>>
      %dma_start3A_83 = tpu.memref_squeeze %dma_start3A_82 : memref<1x80xi32, #tpu.memory_space<vmem>> -> memref<80xi32, #tpu.memory_space<vmem>>
      %dma_start3A_84 = arith.constant 0 : i32
      %dma_start3A_85 = arith.constant 0 : i32
      %dma_start3A_86 = tpu.memref_slice %arg8[%dma_start3A_84, %dma_start3A_85] : memref<10240x32xf32, #tpu.memory_space<vmem_shared>> -> memref<10240x32xf32, #tpu.memory_space<vmem_shared>>
      tpu.enqueue_indirect_dma source(%arg10 : memref<80x32xf32, #tpu.memory_space<vmem>>) target(%dma_start3A_86 : memref<10240x32xf32, #tpu.memory_space<vmem_shared>>) offsets(%dma_start3A_83 : memref<80xi32, #tpu.memory_space<vmem>>) semaphore(%arg20 : memref<!tpu.dma_semaphore, #tpu.memory_space<semaphore_mem>>) {add = true}
      %add3A_87 = arith.constant 2 : i32
      %add3A_88 = arith.addi %mul3A_59, %add3A_87 : i32
      %dma_wait3A_89 = arith.constant 0 : i32
      %dma_wait3A_90 = tpu.memref_slice %arg6[%add3A_88, %dma_wait3A_89] : memref<125x80xi32, #tpu.memory_space<vmem>> -> memref<1x80xi32, #tpu.memory_space<vmem>>
      %dma_wait3A_91 = tpu.memref_squeeze %dma_wait3A_90 : memref<1x80xi32, #tpu.memory_space<vmem>> -> memref<80xi32, #tpu.memory_space<vmem>>
      %dma_wait3A_92 = arith.constant 0 : i32
      %dma_wait3A_93 = arith.constant 0 : i32
      %dma_wait3A_94 = tpu.memref_slice %arg2[%dma_wait3A_92, %dma_wait3A_93] : memref<10000x32xf32, #tpu.memory_space<hbm>> -> memref<10000x32xf32, #tpu.memory_space<hbm>>
      tpu.wait_indirect_dma semaphore(%arg16 : memref<!tpu.dma_semaphore, #tpu.memory_space<semaphore_mem>>) src(%dma_wait3A_94 : memref<10000x32xf32, #tpu.memory_space<hbm>>) dst(%arg11 : memref<80x32xf32, #tpu.memory_space<vmem>>)
      %dma_start3A_95 = arith.constant 0 : i32
      %dma_start3A_96 = tpu.memref_slice %arg7[%add3A_88, %dma_start3A_95] : memref<125x80xi32, #tpu.memory_space<vmem>> -> memref<1x80xi32, #tpu.memory_space<vmem>>
      %dma_start3A_97 = tpu.memref_squeeze %dma_start3A_96 : memref<1x80xi32, #tpu.memory_space<vmem>> -> memref<80xi32, #tpu.memory_space<vmem>>
      %dma_start3A_98 = arith.constant 0 : i32
      %dma_start3A_99 = arith.constant 0 : i32
      %dma_start3A_100 = tpu.memref_slice %arg8[%dma_start3A_98, %dma_start3A_99] : memref<10240x32xf32, #tpu.memory_space<vmem_shared>> -> memref<10240x32xf32, #tpu.memory_space<vmem_shared>>
      tpu.enqueue_indirect_dma source(%arg11 : memref<80x32xf32, #tpu.memory_space<vmem>>) target(%dma_start3A_100 : memref<10240x32xf32, #tpu.memory_space<vmem_shared>>) offsets(%dma_start3A_97 : memref<80xi32, #tpu.memory_space<vmem>>) semaphore(%arg21 : memref<!tpu.dma_semaphore, #tpu.memory_space<semaphore_mem>>) {add = true}
      %add3A_101 = arith.constant 3 : i32
      %add3A_102 = arith.addi %mul3A_59, %add3A_101 : i32
      %dma_wait3A_103 = arith.constant 0 : i32
      %dma_wait3A_104 = tpu.memref_slice %arg6[%add3A_102, %dma_wait3A_103] : memref<125x80xi32, #tpu.memory_space<vmem>> -> memref<1x80xi32, #tpu.memory_space<vmem>>
      %dma_wait3A_105 = tpu.memref_squeeze %dma_wait3A_104 : memref<1x80xi32, #tpu.memory_space<vmem>> -> memref<80xi32, #tpu.memory_space<vmem>>
      %dma_wait3A_106 = arith.constant 0 : i32
      %dma_wait3A_107 = arith.constant 0 : i32
      %dma_wait3A_108 = tpu.memref_slice %arg2[%dma_wait3A_106, %dma_wait3A_107] : memref<10000x32xf32, #tpu.memory_space<hbm>> -> memref<10000x32xf32, #tpu.memory_space<hbm>>
      tpu.wait_indirect_dma semaphore(%arg17 : memref<!tpu.dma_semaphore, #tpu.memory_space<semaphore_mem>>) src(%dma_wait3A_108 : memref<10000x32xf32, #tpu.memory_space<hbm>>) dst(%arg12 : memref<80x32xf32, #tpu.memory_space<vmem>>)
      %dma_start3A_109 = arith.constant 0 : i32
      %dma_start3A_110 = tpu.memref_slice %arg7[%add3A_102, %dma_start3A_109] : memref<125x80xi32, #tpu.memory_space<vmem>> -> memref<1x80xi32, #tpu.memory_space<vmem>>
      %dma_start3A_111 = tpu.memref_squeeze %dma_start3A_110 : memref<1x80xi32, #tpu.memory_space<vmem>> -> memref<80xi32, #tpu.memory_space<vmem>>
      %dma_start3A_112 = arith.constant 0 : i32
      %dma_start3A_113 = arith.constant 0 : i32
      %dma_start3A_114 = tpu.memref_slice %arg8[%dma_start3A_112, %dma_start3A_113] : memref<10240x32xf32, #tpu.memory_space<vmem_shared>> -> memref<10240x32xf32, #tpu.memory_space<vmem_shared>>
      tpu.enqueue_indirect_dma source(%arg12 : memref<80x32xf32, #tpu.memory_space<vmem>>) target(%dma_start3A_114 : memref<10240x32xf32, #tpu.memory_space<vmem_shared>>) offsets(%dma_start3A_111 : memref<80xi32, #tpu.memory_space<vmem>>) semaphore(%arg22 : memref<!tpu.dma_semaphore, #tpu.memory_space<semaphore_mem>>) {add = true}
      %add3A_115 = arith.constant 4 : i32
      %add3A_116 = arith.addi %mul3A_59, %add3A_115 : i32
      %dma_wait3A_117 = arith.constant 0 : i32
      %dma_wait3A_118 = tpu.memref_slice %arg6[%add3A_116, %dma_wait3A_117] : memref<125x80xi32, #tpu.memory_space<vmem>> -> memref<1x80xi32, #tpu.memory_space<vmem>>
      %dma_wait3A_119 = tpu.memref_squeeze %dma_wait3A_118 : memref<1x80xi32, #tpu.memory_space<vmem>> -> memref<80xi32, #tpu.memory_space<vmem>>
      %dma_wait3A_120 = arith.constant 0 : i32
      %dma_wait3A_121 = arith.constant 0 : i32
      %dma_wait3A_122 = tpu.memref_slice %arg2[%dma_wait3A_120, %dma_wait3A_121] : memref<10000x32xf32, #tpu.memory_space<hbm>> -> memref<10000x32xf32, #tpu.memory_space<hbm>>
      tpu.wait_indirect_dma semaphore(%arg18 : memref<!tpu.dma_semaphore, #tpu.memory_space<semaphore_mem>>) src(%dma_wait3A_122 : memref<10000x32xf32, #tpu.memory_space<hbm>>) dst(%arg13 : memref<80x32xf32, #tpu.memory_space<vmem>>)
      %dma_start3A_123 = arith.constant 0 : i32
      %dma_start3A_124 = tpu.memref_slice %arg7[%add3A_116, %dma_start3A_123] : memref<125x80xi32, #tpu.memory_space<vmem>> -> memref<1x80xi32, #tpu.memory_space<vmem>>
      %dma_start3A_125 = tpu.memref_squeeze %dma_start3A_124 : memref<1x80xi32, #tpu.memory_space<vmem>> -> memref<80xi32, #tpu.memory_space<vmem>>
      %dma_start3A_126 = arith.constant 0 : i32
      %dma_start3A_127 = arith.constant 0 : i32
      %dma_start3A_128 = tpu.memref_slice %arg8[%dma_start3A_126, %dma_start3A_127] : memref<10240x32xf32, #tpu.memory_space<vmem_shared>> -> memref<10240x32xf32, #tpu.memory_space<vmem_shared>>
      tpu.enqueue_indirect_dma source(%arg13 : memref<80x32xf32, #tpu.memory_space<vmem>>) target(%dma_start3A_128 : memref<10240x32xf32, #tpu.memory_space<vmem_shared>>) offsets(%dma_start3A_125 : memref<80xi32, #tpu.memory_space<vmem>>) semaphore(%arg23 : memref<!tpu.dma_semaphore, #tpu.memory_space<semaphore_mem>>) {add = true}
      %add3A_129 = arith.constant 0 : i32
      %add3A_130 = arith.addi %mul3A_59, %add3A_129 : i32
      %dma_wait3A_131 = arith.constant 0 : i32
      %dma_wait3A_132 = tpu.memref_slice %arg7[%add3A_130, %dma_wait3A_131] : memref<125x80xi32, #tpu.memory_space<vmem>> -> memref<1x80xi32, #tpu.memory_space<vmem>>
      %dma_wait3A_133 = tpu.memref_squeeze %dma_wait3A_132 : memref<1x80xi32, #tpu.memory_space<vmem>> -> memref<80xi32, #tpu.memory_space<vmem>>
      %dma_wait3A_134 = arith.constant 0 : i32
      %dma_wait3A_135 = arith.constant 0 : i32
      %dma_wait3A_136 = tpu.memref_slice %arg8[%dma_wait3A_134, %dma_wait3A_135] : memref<10240x32xf32, #tpu.memory_space<vmem_shared>> -> memref<10240x32xf32, #tpu.memory_space<vmem_shared>>
      tpu.wait_indirect_dma semaphore(%arg19 : memref<!tpu.dma_semaphore, #tpu.memory_space<semaphore_mem>>) src(%arg9 : memref<80x32xf32, #tpu.memory_space<vmem>>) dst(%dma_wait3A_136 : memref<10240x32xf32, #tpu.memory_space<vmem_shared>>)
      %lt3A = arith.constant 24 : i32
      %lt3A_137 = arith.cmpi slt, %add3A_57, %lt3A : i32
      %convert_element_type3A = arith.extui %lt3A_137 : i1 to i32
      %cond3A = arith.constant 0 : i32
      %cond3A_138 = arith.cmpi ne, %convert_element_type3A, %cond3A : i32
      scf.if %cond3A_138 {
        %add3A_191 = arith.constant 5 : i32
        %add3A_192 = arith.addi %add3A_130, %add3A_191 : i32
        %dma_start3A_193 = arith.constant 0 : i32
        %dma_start3A_194 = tpu.memref_slice %arg6[%add3A_192, %dma_start3A_193] : memref<125x80xi32, #tpu.memory_space<vmem>> -> memref<1x80xi32, #tpu.memory_space<vmem>>
        %dma_start3A_195 = tpu.memref_squeeze %dma_start3A_194 : memref<1x80xi32, #tpu.memory_space<vmem>> -> memref<80xi32, #tpu.memory_space<vmem>>
        %dma_start3A_196 = arith.constant 0 : i32
        %dma_start3A_197 = arith.constant 0 : i32
        %dma_start3A_198 = tpu.memref_slice %arg2[%dma_start3A_196, %dma_start3A_197] : memref<10000x32xf32, #tpu.memory_space<hbm>> -> memref<10000x32xf32, #tpu.memory_space<hbm>>
        tpu.enqueue_indirect_dma source(%dma_start3A_198 : memref<10000x32xf32, #tpu.memory_space<hbm>>) target(%arg9 : memref<80x32xf32, #tpu.memory_space<vmem>>) offsets(%dma_start3A_195 : memref<80xi32, #tpu.memory_space<vmem>>) semaphore(%arg14 : memref<!tpu.dma_semaphore, #tpu.memory_space<semaphore_mem>>)
      } else {
      }
      %add3A_139 = arith.constant 1 : i32
      %add3A_140 = arith.addi %mul3A_59, %add3A_139 : i32
      %dma_wait3A_141 = arith.constant 0 : i32
      %dma_wait3A_142 = tpu.memref_slice %arg7[%add3A_140, %dma_wait3A_141] : memref<125x80xi32, #tpu.memory_space<vmem>> -> memref<1x80xi32, #tpu.memory_space<vmem>>
      %dma_wait3A_143 = tpu.memref_squeeze %dma_wait3A_142 : memref<1x80xi32, #tpu.memory_space<vmem>> -> memref<80xi32, #tpu.memory_space<vmem>>
      %dma_wait3A_144 = arith.constant 0 : i32
      %dma_wait3A_145 = arith.constant 0 : i32
      %dma_wait3A_146 = tpu.memref_slice %arg8[%dma_wait3A_144, %dma_wait3A_145] : memref<10240x32xf32, #tpu.memory_space<vmem_shared>> -> memref<10240x32xf32, #tpu.memory_space<vmem_shared>>
      tpu.wait_indirect_dma semaphore(%arg20 : memref<!tpu.dma_semaphore, #tpu.memory_space<semaphore_mem>>) src(%arg10 : memref<80x32xf32, #tpu.memory_space<vmem>>) dst(%dma_wait3A_146 : memref<10240x32xf32, #tpu.memory_space<vmem_shared>>)
      %lt3A_147 = arith.constant 24 : i32
      %lt3A_148 = arith.cmpi slt, %add3A_57, %lt3A_147 : i32
      %convert_element_type3A_149 = arith.extui %lt3A_148 : i1 to i32
      %cond3A_150 = arith.constant 0 : i32
      %cond3A_151 = arith.cmpi ne, %convert_element_type3A_149, %cond3A_150 : i32
      scf.if %cond3A_151 {
        %add3A_191 = arith.constant 5 : i32
        %add3A_192 = arith.addi %add3A_140, %add3A_191 : i32
        %dma_start3A_193 = arith.constant 0 : i32
        %dma_start3A_194 = tpu.memref_slice %arg6[%add3A_192, %dma_start3A_193] : memref<125x80xi32, #tpu.memory_space<vmem>> -> memref<1x80xi32, #tpu.memory_space<vmem>>
        %dma_start3A_195 = tpu.memref_squeeze %dma_start3A_194 : memref<1x80xi32, #tpu.memory_space<vmem>> -> memref<80xi32, #tpu.memory_space<vmem>>
        %dma_start3A_196 = arith.constant 0 : i32
        %dma_start3A_197 = arith.constant 0 : i32
        %dma_start3A_198 = tpu.memref_slice %arg2[%dma_start3A_196, %dma_start3A_197] : memref<10000x32xf32, #tpu.memory_space<hbm>> -> memref<10000x32xf32, #tpu.memory_space<hbm>>
        tpu.enqueue_indirect_dma source(%dma_start3A_198 : memref<10000x32xf32, #tpu.memory_space<hbm>>) target(%arg10 : memref<80x32xf32, #tpu.memory_space<vmem>>) offsets(%dma_start3A_195 : memref<80xi32, #tpu.memory_space<vmem>>) semaphore(%arg15 : memref<!tpu.dma_semaphore, #tpu.memory_space<semaphore_mem>>)
      } else {
      }
      %add3A_152 = arith.constant 2 : i32
      %add3A_153 = arith.addi %mul3A_59, %add3A_152 : i32
      %dma_wait3A_154 = arith.constant 0 : i32
      %dma_wait3A_155 = tpu.memref_slice %arg7[%add3A_153, %dma_wait3A_154] : memref<125x80xi32, #tpu.memory_space<vmem>> -> memref<1x80xi32, #tpu.memory_space<vmem>>
      %dma_wait3A_156 = tpu.memref_squeeze %dma_wait3A_155 : memref<1x80xi32, #tpu.memory_space<vmem>> -> memref<80xi32, #tpu.memory_space<vmem>>
      %dma_wait3A_157 = arith.constant 0 : i32
      %dma_wait3A_158 = arith.constant 0 : i32
      %dma_wait3A_159 = tpu.memref_slice %arg8[%dma_wait3A_157, %dma_wait3A_158] : memref<10240x32xf32, #tpu.memory_space<vmem_shared>> -> memref<10240x32xf32, #tpu.memory_space<vmem_shared>>
      tpu.wait_indirect_dma semaphore(%arg21 : memref<!tpu.dma_semaphore, #tpu.memory_space<semaphore_mem>>) src(%arg11 : memref<80x32xf32, #tpu.memory_space<vmem>>) dst(%dma_wait3A_159 : memref<10240x32xf32, #tpu.memory_space<vmem_shared>>)
      %lt3A_160 = arith.constant 24 : i32
      %lt3A_161 = arith.cmpi slt, %add3A_57, %lt3A_160 : i32
      %convert_element_type3A_162 = arith.extui %lt3A_161 : i1 to i32
      %cond3A_163 = arith.constant 0 : i32
      %cond3A_164 = arith.cmpi ne, %convert_element_type3A_162, %cond3A_163 : i32
      scf.if %cond3A_164 {
        %add3A_191 = arith.constant 5 : i32
        %add3A_192 = arith.addi %add3A_153, %add3A_191 : i32
        %dma_start3A_193 = arith.constant 0 : i32
        %dma_start3A_194 = tpu.memref_slice %arg6[%add3A_192, %dma_start3A_193] : memref<125x80xi32, #tpu.memory_space<vmem>> -> memref<1x80xi32, #tpu.memory_space<vmem>>
        %dma_start3A_195 = tpu.memref_squeeze %dma_start3A_194 : memref<1x80xi32, #tpu.memory_space<vmem>> -> memref<80xi32, #tpu.memory_space<vmem>>
        %dma_start3A_196 = arith.constant 0 : i32
        %dma_start3A_197 = arith.constant 0 : i32
        %dma_start3A_198 = tpu.memref_slice %arg2[%dma_start3A_196, %dma_start3A_197] : memref<10000x32xf32, #tpu.memory_space<hbm>> -> memref<10000x32xf32, #tpu.memory_space<hbm>>
        tpu.enqueue_indirect_dma source(%dma_start3A_198 : memref<10000x32xf32, #tpu.memory_space<hbm>>) target(%arg11 : memref<80x32xf32, #tpu.memory_space<vmem>>) offsets(%dma_start3A_195 : memref<80xi32, #tpu.memory_space<vmem>>) semaphore(%arg16 : memref<!tpu.dma_semaphore, #tpu.memory_space<semaphore_mem>>)
      } else {
      }
      %add3A_165 = arith.constant 3 : i32
      %add3A_166 = arith.addi %mul3A_59, %add3A_165 : i32
      %dma_wait3A_167 = arith.constant 0 : i32
      %dma_wait3A_168 = tpu.memref_slice %arg7[%add3A_166, %dma_wait3A_167] : memref<125x80xi32, #tpu.memory_space<vmem>> -> memref<1x80xi32, #tpu.memory_space<vmem>>
      %dma_wait3A_169 = tpu.memref_squeeze %dma_wait3A_168 : memref<1x80xi32, #tpu.memory_space<vmem>> -> memref<80xi32, #tpu.memory_space<vmem>>
      %dma_wait3A_170 = arith.constant 0 : i32
      %dma_wait3A_171 = arith.constant 0 : i32
      %dma_wait3A_172 = tpu.memref_slice %arg8[%dma_wait3A_170, %dma_wait3A_171] : memref<10240x32xf32, #tpu.memory_space<vmem_shared>> -> memref<10240x32xf32, #tpu.memory_space<vmem_shared>>
      tpu.wait_indirect_dma semaphore(%arg22 : memref<!tpu.dma_semaphore, #tpu.memory_space<semaphore_mem>>) src(%arg12 : memref<80x32xf32, #tpu.memory_space<vmem>>) dst(%dma_wait3A_172 : memref<10240x32xf32, #tpu.memory_space<vmem_shared>>)
      %lt3A_173 = arith.constant 24 : i32
      %lt3A_174 = arith.cmpi slt, %add3A_57, %lt3A_173 : i32
      %convert_element_type3A_175 = arith.extui %lt3A_174 : i1 to i32
      %cond3A_176 = arith.constant 0 : i32
      %cond3A_177 = arith.cmpi ne, %convert_element_type3A_175, %cond3A_176 : i32
      scf.if %cond3A_177 {
        %add3A_191 = arith.constant 5 : i32
        %add3A_192 = arith.addi %add3A_166, %add3A_191 : i32
        %dma_start3A_193 = arith.constant 0 : i32
        %dma_start3A_194 = tpu.memref_slice %arg6[%add3A_192, %dma_start3A_193] : memref<125x80xi32, #tpu.memory_space<vmem>> -> memref<1x80xi32, #tpu.memory_space<vmem>>
        %dma_start3A_195 = tpu.memref_squeeze %dma_start3A_194 : memref<1x80xi32, #tpu.memory_space<vmem>> -> memref<80xi32, #tpu.memory_space<vmem>>
        %dma_start3A_196 = arith.constant 0 : i32
        %dma_start3A_197 = arith.constant 0 : i32
        %dma_start3A_198 = tpu.memref_slice %arg2[%dma_start3A_196, %dma_start3A_197] : memref<10000x32xf32, #tpu.memory_space<hbm>> -> memref<10000x32xf32, #tpu.memory_space<hbm>>
        tpu.enqueue_indirect_dma source(%dma_start3A_198 : memref<10000x32xf32, #tpu.memory_space<hbm>>) target(%arg12 : memref<80x32xf32, #tpu.memory_space<vmem>>) offsets(%dma_start3A_195 : memref<80xi32, #tpu.memory_space<vmem>>) semaphore(%arg17 : memref<!tpu.dma_semaphore, #tpu.memory_space<semaphore_mem>>)
      } else {
      }
      %add3A_178 = arith.constant 4 : i32
      %add3A_179 = arith.addi %mul3A_59, %add3A_178 : i32
      %dma_wait3A_180 = arith.constant 0 : i32
      %dma_wait3A_181 = tpu.memref_slice %arg7[%add3A_179, %dma_wait3A_180] : memref<125x80xi32, #tpu.memory_space<vmem>> -> memref<1x80xi32, #tpu.memory_space<vmem>>
      %dma_wait3A_182 = tpu.memref_squeeze %dma_wait3A_181 : memref<1x80xi32, #tpu.memory_space<vmem>> -> memref<80xi32, #tpu.memory_space<vmem>>
      %dma_wait3A_183 = arith.constant 0 : i32
      %dma_wait3A_184 = arith.constant 0 : i32
      %dma_wait3A_185 = tpu.memref_slice %arg8[%dma_wait3A_183, %dma_wait3A_184] : memref<10240x32xf32, #tpu.memory_space<vmem_shared>> -> memref<10240x32xf32, #tpu.memory_space<vmem_shared>>
      tpu.wait_indirect_dma semaphore(%arg23 : memref<!tpu.dma_semaphore, #tpu.memory_space<semaphore_mem>>) src(%arg13 : memref<80x32xf32, #tpu.memory_space<vmem>>) dst(%dma_wait3A_185 : memref<10240x32xf32, #tpu.memory_space<vmem_shared>>)
      %lt3A_186 = arith.constant 24 : i32
      %lt3A_187 = arith.cmpi slt, %add3A_57, %lt3A_186 : i32
      %convert_element_type3A_188 = arith.extui %lt3A_187 : i1 to i32
      %cond3A_189 = arith.constant 0 : i32
      %cond3A_190 = arith.cmpi ne, %convert_element_type3A_188, %cond3A_189 : i32
      scf.if %cond3A_190 {
        %add3A_191 = arith.constant 5 : i32
        %add3A_192 = arith.addi %add3A_179, %add3A_191 : i32
        %dma_start3A_193 = arith.constant 0 : i32
        %dma_start3A_194 = tpu.memref_slice %arg6[%add3A_192, %dma_start3A_193] : memref<125x80xi32, #tpu.memory_space<vmem>> -> memref<1x80xi32, #tpu.memory_space<vmem>>
        %dma_start3A_195 = tpu.memref_squeeze %dma_start3A_194 : memref<1x80xi32, #tpu.memory_space<vmem>> -> memref<80xi32, #tpu.memory_space<vmem>>
        %dma_start3A_196 = arith.constant 0 : i32
        %dma_start3A_197 = arith.constant 0 : i32
        %dma_start3A_198 = tpu.memref_slice %arg2[%dma_start3A_196, %dma_start3A_197] : memref<10000x32xf32, #tpu.memory_space<hbm>> -> memref<10000x32xf32, #tpu.memory_space<hbm>>
        tpu.enqueue_indirect_dma source(%dma_start3A_198 : memref<10000x32xf32, #tpu.memory_space<hbm>>) target(%arg13 : memref<80x32xf32, #tpu.memory_space<vmem>>) offsets(%dma_start3A_195 : memref<80xi32, #tpu.memory_space<vmem>>) semaphore(%arg18 : memref<!tpu.dma_semaphore, #tpu.memory_space<semaphore_mem>>)
      } else {
      }
    }
    %scan3A_51 = arith.constant 25 : i32
    %barrier3A_52 = arith.constant 0 : index
    tpu.barrier barrier_id(%barrier3A_52)
    "tpu.region"() ({
      %run_scoped3A = tpu.sem_alloc : memref<!tpu.dma_semaphore, #tpu.memory_space<semaphore_mem>>
      %dma_start3A_53 = arith.constant 0 : i32
      %dma_start3A_54 = tpu.memref_slice %arg5[%arg0, %mul3A_2, %dma_start3A_53] : memref<2x10240x32xf32, #tpu.memory_space<hbm>> -> memref<1x640x32xf32, #tpu.memory_space<hbm>>
      %dma_start3A_55 = tpu.memref_squeeze %dma_start3A_54 : memref<1x640x32xf32, #tpu.memory_space<hbm>> -> memref<640x32xf32, #tpu.memory_space<hbm>>
      %dma_start3A_56 = arith.constant 0 : i32
      %dma_start3A_57 = tpu.memref_slice %arg8[%mul3A_2, %dma_start3A_56] : memref<10240x32xf32, #tpu.memory_space<vmem_shared>> -> memref<640x32xf32, #tpu.memory_space<vmem_shared>>
      tpu.enqueue_dma source(%dma_start3A_57 : memref<640x32xf32, #tpu.memory_space<vmem_shared>>) target(%dma_start3A_55 : memref<640x32xf32, #tpu.memory_space<hbm>>) target_semaphore(%run_scoped3A : memref<!tpu.dma_semaphore, #tpu.memory_space<semaphore_mem>>)
      %dma_wait3A = arith.constant 0 : i32
      %dma_wait3A_58 = tpu.memref_slice %arg5[%arg0, %mul3A_2, %dma_wait3A] : memref<2x10240x32xf32, #tpu.memory_space<hbm>> -> memref<1x640x32xf32, #tpu.memory_space<hbm>>
      %dma_wait3A_59 = tpu.memref_squeeze %dma_wait3A_58 : memref<1x640x32xf32, #tpu.memory_space<hbm>> -> memref<640x32xf32, #tpu.memory_space<hbm>>
      %dma_wait3A_60 = arith.constant 0 : i32
      %dma_wait3A_61 = tpu.memref_slice %arg8[%mul3A_2, %dma_wait3A_60] : memref<10240x32xf32, #tpu.memory_space<vmem_shared>> -> memref<640x32xf32, #tpu.memory_space<vmem_shared>>
      tpu.wait_dma2 semaphore(%run_scoped3A : memref<!tpu.dma_semaphore, #tpu.memory_space<semaphore_mem>>) src(%dma_wait3A_61 : memref<640x32xf32, #tpu.memory_space<vmem_shared>>) dst(%dma_wait3A_59 : memref<640x32xf32, #tpu.memory_space<hbm>>)
      tpu.yield
    }) : () -> ()
    return
  }
}

module attributes {stable_mosaic.version = 14 : i64} {
  func.func @tc_body(%arg0: i32, %arg1: memref<1x2048x128xf32, #tpu.memory_space<vmem>>, %arg2: memref<1x2048x128xf32, #tpu.memory_space<vmem>>, %arg3: memref<2048x128xf32, #tpu.memory_space<vmem>>, %arg4: memref<128x352xf32, #tpu.memory_space<vmem>>, %arg5: memref<1x352xf32, #tpu.memory_space<vmem>>, %arg6: memref<128x352xf32, #tpu.memory_space<vmem>>, %arg7: memref<1x2048x1xf32, #tpu.memory_space<vmem>>, %arg8: memref<1x2048x1xf32, #tpu.memory_space<vmem>>, %arg9: memref<2048x32xf32, #tpu.memory_space<vmem>>) attributes {dimension_semantics = [#tpu.dimension_semantics<arbitrary>], iteration_bounds = array<i64: 5>, scalar_prefetch = 0 : i64, scratch_operands = 0 : i64, tpu.core_type = #tpu.core_type<tc>, window_params = [{transform_indices = @transform_0, window_bounds = array<i64: 1, 2048, 128>}, {transform_indices = @transform_1, window_bounds = array<i64: 1, 2048, 128>}, {transform_indices = @transform_2, window_bounds = array<i64: 2048, 128>}, {pipeline_mode = #tpu.pipeline_mode<synchronous>, transform_indices = @transform_3, window_bounds = array<i64: 128, 352>}, {pipeline_mode = #tpu.pipeline_mode<synchronous>, transform_indices = @transform_4, window_bounds = array<i64: 1, 352>}, {pipeline_mode = #tpu.pipeline_mode<synchronous>, transform_indices = @transform_5, window_bounds = array<i64: 128, 352>}, {transform_indices = @transform_6, window_bounds = array<i64: 1, 2048, 1>}, {transform_indices = @transform_7, window_bounds = array<i64: 1, 2048, 1>}, {transform_indices = @transform_8, window_bounds = array<i64: 2048, 32>}]} {
    %get3A = arith.constant 0 : index
    %get3A_0 = arith.constant 0 : index
    %get3A_1 = arith.constant 0 : index
    %get3A_2 = vector.load %arg1[%get3A, %get3A_0, %get3A_1] : memref<1x2048x128xf32, #tpu.memory_space<vmem>>, vector<1x2048x128xf32>
    %get3A_3 = vector.shape_cast %get3A_2 : vector<1x2048x128xf32> to vector<2048x128xf32>
    %get3A_4 = arith.constant 0 : index
    %get3A_5 = arith.constant 0 : index
    %get3A_6 = arith.constant 0 : index
    %get3A_7 = vector.load %arg2[%get3A_4, %get3A_5, %get3A_6] : memref<1x2048x128xf32, #tpu.memory_space<vmem>>, vector<1x2048x128xf32>
    %get3A_8 = vector.shape_cast %get3A_7 : vector<1x2048x128xf32> to vector<2048x128xf32>
    %add3A = arith.addf %get3A_3, %get3A_8 : vector<2048x128xf32>
    %get3A_9 = arith.constant 0 : index
    %get3A_10 = arith.constant 0 : index
    %get3A_11 = vector.load %arg4[%get3A_9, %get3A_10] : memref<128x352xf32, #tpu.memory_space<vmem>>, vector<128x352xf32>
    %dot_general3A = arith.constant dense<0.000000e+00> : vector<2048x352xf32>
    %dot_general3A_12 = tpu.matmul %add3A, %get3A_11, %dot_general3A {dimension_numbers = #tpu.dot_dimension_numbers<[1], [0], [0], [1], [0, 0, 1, 1], [], []>, transpose_lhs_hint = false} : vector<2048x128xf32>, vector<128x352xf32>, vector<2048x352xf32> -> vector<2048x352xf32>
    %get3A_13 = arith.constant 0 : index
    %get3A_14 = arith.constant 0 : index
    %get3A_15 = vector.load %arg3[%get3A_13, %get3A_14] : memref<2048x128xf32, #tpu.memory_space<vmem>>, vector<2048x128xf32>
    %get3A_16 = arith.constant 0 : index
    %get3A_17 = arith.constant 0 : index
    %get3A_18 = vector.load %arg6[%get3A_16, %get3A_17] : memref<128x352xf32, #tpu.memory_space<vmem>>, vector<128x352xf32>
    %dot_general3A_19 = arith.constant dense<0.000000e+00> : vector<2048x352xf32>
    %dot_general3A_20 = tpu.matmul %get3A_15, %get3A_18, %dot_general3A_19 {dimension_numbers = #tpu.dot_dimension_numbers<[1], [0], [0], [1], [0, 0, 1, 1], [], []>, transpose_lhs_hint = false} : vector<2048x128xf32>, vector<128x352xf32>, vector<2048x352xf32> -> vector<2048x352xf32>
    %add3A_21 = arith.addf %dot_general3A_12, %dot_general3A_20 : vector<2048x352xf32>
    %get3A_22 = arith.constant 0 : index
    %get3A_23 = arith.constant 0 : index
    %get3A_24 = vector.load %arg5[%get3A_22, %get3A_23] : memref<1x352xf32, #tpu.memory_space<vmem>>, vector<1x352xf32>
    %add3A_25 = vector.broadcast %get3A_24 : vector<1x352xf32> to vector<2048x352xf32>
    %add3A_26 = arith.addf %add3A_21, %add3A_25 : vector<2048x352xf32>
    %get3A_27 = arith.constant 0 : index
    %get3A_28 = arith.constant 0 : index
    %get3A_29 = arith.constant 0 : index
    %get3A_30 = vector.load %arg7[%get3A_27, %get3A_28, %get3A_29] : memref<1x2048x1xf32, #tpu.memory_space<vmem>>, vector<1x2048x1xf32>
    %get3A_31 = vector.shape_cast %get3A_30 : vector<1x2048x1xf32> to vector<2048x1xf32>
    %get3A_32 = arith.constant 0 : index
    %get3A_33 = arith.constant 0 : index
    %get3A_34 = arith.constant 0 : index
    %get3A_35 = vector.load %arg8[%get3A_32, %get3A_33, %get3A_34] : memref<1x2048x1xf32, #tpu.memory_space<vmem>>, vector<1x2048x1xf32>
    %get3A_36 = vector.shape_cast %get3A_35 : vector<1x2048x1xf32> to vector<2048x1xf32>
    %add3A_37 = arith.addf %get3A_31, %get3A_36 : vector<2048x1xf32>
    %min3A = arith.constant 1.000000e+01 : f32
    %min3A_38 = vector.broadcast %min3A : f32 to vector<2048x1xf32>
    %min3A_39 = arith.minimumf %add3A_37, %min3A_38 : vector<2048x1xf32>
    %iota3A = tpu.iota {dimensions = array<i32: 1>} : vector<1x352xi32>
    %jit3A = arith.constant 32 : i32
    %div3A = vector.broadcast %jit3A : i32 to vector<1x352xi32>
    %div3A_40 = arith.divsi %iota3A, %div3A : vector<1x352xi32>
    %sign3A = arith.constant 0 : i32
    %sign3A_41 = vector.broadcast %sign3A : i32 to vector<1x352xi32>
    %sign3A_42 = arith.cmpi sgt, %iota3A, %sign3A_41 : vector<1x352xi32>
    %sign3A_43 = arith.extui %sign3A_42 : vector<1x352xi1> to vector<1x352xi32>
    %sign3A_44 = arith.constant 0 : i32
    %sign3A_45 = vector.broadcast %sign3A_44 : i32 to vector<1x352xi32>
    %sign3A_46 = arith.cmpi slt, %iota3A, %sign3A_45 : vector<1x352xi32>
    %sign3A_47 = arith.extui %sign3A_46 : vector<1x352xi1> to vector<1x352xi32>
    %sign3A_48 = arith.subi %sign3A_43, %sign3A_47 : vector<1x352xi32>
    %sign3A_49 = arith.constant 0 : i32
    %sign3A_50 = arith.cmpi sgt, %jit3A, %sign3A_49 : i32
    %sign3A_51 = arith.extui %sign3A_50 : i1 to i32
    %sign3A_52 = arith.constant 0 : i32
    %sign3A_53 = arith.cmpi slt, %jit3A, %sign3A_52 : i32
    %sign3A_54 = arith.extui %sign3A_53 : i1 to i32
    %sign3A_55 = arith.subi %sign3A_51, %sign3A_54 : i32
    %ne3A = vector.broadcast %sign3A_55 : i32 to vector<1x352xi32>
    %ne3A_56 = arith.cmpi ne, %sign3A_48, %ne3A : vector<1x352xi32>
    %rem3A = vector.broadcast %jit3A : i32 to vector<1x352xi32>
    %rem3A_57 = arith.remsi %iota3A, %rem3A : vector<1x352xi32>
    %ne3A_58 = arith.constant 0 : i32
    %ne3A_59 = vector.broadcast %ne3A_58 : i32 to vector<1x352xi32>
    %ne3A_60 = arith.cmpi ne, %rem3A_57, %ne3A_59 : vector<1x352xi32>
    %and3A = arith.andi %ne3A_56, %ne3A_60 : vector<1x352xi1>
    %sub3A = arith.constant 1 : i32
    %sub3A_61 = vector.broadcast %sub3A : i32 to vector<1x352xi32>
    %sub3A_62 = arith.subi %div3A_40, %sub3A_61 : vector<1x352xi32>
    %select_n3A = arith.select %and3A, %sub3A_62, %div3A_40 : vector<1x352xi1>, vector<1x352xi32>
    %convert_element_type3A = arith.sitofp %select_n3A : vector<1x352xi32> to vector<1x352xf32>
    %eq3A = vector.broadcast %min3A_39 : vector<2048x1xf32> to vector<2048x352xf32>
    %eq3A_63 = vector.broadcast %convert_element_type3A : vector<1x352xf32> to vector<2048x352xf32>
    %eq3A_64 = arith.cmpf oeq, %eq3A, %eq3A_63 : vector<2048x352xf32>
    %convert_element_type3A_65 = arith.extui %eq3A_64 : vector<2048x352xi1> to vector<2048x352xi32>
    %convert_element_type3A_66 = arith.sitofp %convert_element_type3A_65 : vector<2048x352xi32> to vector<2048x352xf32>
    %mul3A = arith.mulf %add3A_26, %convert_element_type3A_66 : vector<2048x352xf32>
    %iota3A_67 = tpu.iota {dimensions = array<i32: 0>} : vector<352x32xi32>
    %iota3A_68 = tpu.iota {dimensions = array<i32: 1>} : vector<352x32xi32>
    %jit3A_69 = arith.constant 32 : i32
    %eq3A_70 = arith.constant 0 : i32
    %eq3A_71 = arith.cmpi eq, %jit3A_69, %eq3A_70 : i32
    %jit3A_72 = arith.constant 1 : i32
    %select_n3A_73 = arith.select %eq3A_71, %jit3A_72, %jit3A_69 : i32
    %rem3A_74 = vector.broadcast %select_n3A_73 : i32 to vector<352x32xi32>
    %rem3A_75 = arith.remsi %iota3A_67, %rem3A_74 : vector<352x32xi32>
    %ne3A_76 = arith.constant 0 : i32
    %ne3A_77 = vector.broadcast %ne3A_76 : i32 to vector<352x32xi32>
    %ne3A_78 = arith.cmpi ne, %rem3A_75, %ne3A_77 : vector<352x32xi32>
    %lt3A = arith.constant 0 : i32
    %lt3A_79 = vector.broadcast %lt3A : i32 to vector<352x32xi32>
    %lt3A_80 = arith.cmpi slt, %rem3A_75, %lt3A_79 : vector<352x32xi32>
    %lt3A_81 = arith.constant 0 : i32
    %lt3A_82 = arith.cmpi slt, %select_n3A_73, %lt3A_81 : i32
    %ne3A_83 = vector.broadcast %lt3A_82 : i1 to vector<352x32xi1>
    %ne3A_84 = vector.broadcast %ne3A_83 : vector<352x32xi1> to vector<352x32xi1>
    %ne3A_85 = arith.xori %lt3A_80, %ne3A_84 : vector<352x32xi1>
    %and3A_86 = arith.andi %ne3A_85, %ne3A_78 : vector<352x32xi1>
    %add3A_87 = vector.broadcast %select_n3A_73 : i32 to vector<352x32xi32>
    %add3A_88 = arith.addi %rem3A_75, %add3A_87 : vector<352x32xi32>
    %select_n3A_89 = arith.select %and3A_86, %add3A_88, %rem3A_75 : vector<352x32xi1>, vector<352x32xi32>
    %eq3A_90 = arith.cmpi eq, %select_n3A_89, %iota3A_68 : vector<352x32xi32>
    %convert_element_type3A_91 = arith.extui %eq3A_90 : vector<352x32xi1> to vector<352x32xi32>
    %convert_element_type3A_92 = arith.sitofp %convert_element_type3A_91 : vector<352x32xi32> to vector<352x32xf32>
    %dot_general3A_93 = arith.constant dense<0.000000e+00> : vector<2048x32xf32>
    %dot_general3A_94 = tpu.matmul %mul3A, %convert_element_type3A_92, %dot_general3A_93 {dimension_numbers = #tpu.dot_dimension_numbers<[1], [0], [0], [1], [0, 0, 1, 1], [], []>, transpose_lhs_hint = false} : vector<2048x352xf32>, vector<352x32xf32>, vector<2048x32xf32> -> vector<2048x32xf32>
    %max3A = arith.constant 0.000000e+00 : f32
    %max3A_95 = vector.broadcast %max3A : f32 to vector<2048x32xf32>
    %max3A_96 = arith.maximumf %dot_general3A_94, %max3A_95 : vector<2048x32xf32>
    %swap3A = arith.constant 0 : index
    %swap3A_97 = arith.constant 0 : index
    %swap3A_98 = vector.load %arg9[%swap3A, %swap3A_97] : memref<2048x32xf32, #tpu.memory_space<vmem>>, vector<2048x32xf32>
    tpu.vector_store %arg9[%swap3A, %swap3A_97], %max3A_96 {strides = array<i32>} : memref<2048x32xf32, #tpu.memory_space<vmem>>, vector<2048x32xf32>,
    return
  }
  func.func @transform_0(%arg0: i32) -> (i32, i32, i32) {
    %c0_i32 = arith.constant 0 : i32
    %c0_i32_0 = arith.constant 0 : i32
    %c0_i32_1 = arith.constant 0 : i32
    return %c0_i32, %arg0, %c0_i32_0 : i32, i32, i32
  }
  func.func @transform_1(%arg0: i32) -> (i32, i32, i32) {
    %c1_i32 = arith.constant 1 : i32
    %c0_i32 = arith.constant 0 : i32
    %c0_i32_0 = arith.constant 0 : i32
    return %c1_i32, %arg0, %c0_i32 : i32, i32, i32
  }
  func.func @transform_2(%arg0: i32) -> (i32, i32) {
    %c0_i32 = arith.constant 0 : i32
    %c0_i32_0 = arith.constant 0 : i32
    return %arg0, %c0_i32 : i32, i32
  }
  func.func @transform_3(%arg0: i32) -> (i32, i32) {
    %c0_i32 = arith.constant 0 : i32
    %c0_i32_0 = arith.constant 0 : i32
    %c0_i32_1 = arith.constant 0 : i32
    return %c0_i32, %c0_i32_0 : i32, i32
  }
  func.func @transform_4(%arg0: i32) -> (i32, i32) {
    %c0_i32 = arith.constant 0 : i32
    %c0_i32_0 = arith.constant 0 : i32
    %c0_i32_1 = arith.constant 0 : i32
    return %c0_i32, %c0_i32_0 : i32, i32
  }
  func.func @transform_5(%arg0: i32) -> (i32, i32) {
    %c0_i32 = arith.constant 0 : i32
    %c0_i32_0 = arith.constant 0 : i32
    %c0_i32_1 = arith.constant 0 : i32
    return %c0_i32, %c0_i32_0 : i32, i32
  }
  func.func @transform_6(%arg0: i32) -> (i32, i32, i32) {
    %c0_i32 = arith.constant 0 : i32
    %c0_i32_0 = arith.constant 0 : i32
    %c0_i32_1 = arith.constant 0 : i32
    return %c0_i32, %arg0, %c0_i32_0 : i32, i32, i32
  }
  func.func @transform_7(%arg0: i32) -> (i32, i32, i32) {
    %c1_i32 = arith.constant 1 : i32
    %c0_i32 = arith.constant 0 : i32
    %c0_i32_0 = arith.constant 0 : i32
    return %c1_i32, %arg0, %c0_i32 : i32, i32, i32
  }
  func.func @transform_8(%arg0: i32) -> (i32, i32) {
    %c0_i32 = arith.constant 0 : i32
    %c0_i32_0 = arith.constant 0 : i32
    return %arg0, %c0_i32 : i32, i32
  }
}

module attributes {stable_mosaic.version = 14 : i64} {
  func.func @tc_body(%arg0: i32, %arg1: memref<1x2048x32xf32, #tpu.memory_space<vmem>>, %arg2: memref<1x2048x32xf32, #tpu.memory_space<vmem>>, %arg3: memref<2048x32xf32, #tpu.memory_space<vmem>>, %arg4: memref<32x1408xf32, #tpu.memory_space<vmem>>, %arg5: memref<1x1408xf32, #tpu.memory_space<vmem>>, %arg6: memref<32x1408xf32, #tpu.memory_space<vmem>>, %arg7: memref<1x2048x1xf32, #tpu.memory_space<vmem>>, %arg8: memref<1x2048x1xf32, #tpu.memory_space<vmem>>, %arg9: memref<2048x128xf32, #tpu.memory_space<vmem>>) attributes {dimension_semantics = [#tpu.dimension_semantics<arbitrary>], iteration_bounds = array<i64: 5>, scalar_prefetch = 0 : i64, scratch_operands = 0 : i64, tpu.core_type = #tpu.core_type<tc>, window_params = [{transform_indices = @transform_0, window_bounds = array<i64: 1, 2048, 32>}, {transform_indices = @transform_1, window_bounds = array<i64: 1, 2048, 32>}, {transform_indices = @transform_2, window_bounds = array<i64: 2048, 32>}, {pipeline_mode = #tpu.pipeline_mode<synchronous>, transform_indices = @transform_3, window_bounds = array<i64: 32, 1408>}, {pipeline_mode = #tpu.pipeline_mode<synchronous>, transform_indices = @transform_4, window_bounds = array<i64: 1, 1408>}, {pipeline_mode = #tpu.pipeline_mode<synchronous>, transform_indices = @transform_5, window_bounds = array<i64: 32, 1408>}, {transform_indices = @transform_6, window_bounds = array<i64: 1, 2048, 1>}, {transform_indices = @transform_7, window_bounds = array<i64: 1, 2048, 1>}, {transform_indices = @transform_8, window_bounds = array<i64: 2048, 128>}]} {
    %get3A = arith.constant 0 : index
    %get3A_0 = arith.constant 0 : index
    %get3A_1 = arith.constant 0 : index
    %get3A_2 = vector.load %arg1[%get3A, %get3A_0, %get3A_1] : memref<1x2048x32xf32, #tpu.memory_space<vmem>>, vector<1x2048x32xf32>
    %get3A_3 = vector.shape_cast %get3A_2 : vector<1x2048x32xf32> to vector<2048x32xf32>
    %get3A_4 = arith.constant 0 : index
    %get3A_5 = arith.constant 0 : index
    %get3A_6 = arith.constant 0 : index
    %get3A_7 = vector.load %arg2[%get3A_4, %get3A_5, %get3A_6] : memref<1x2048x32xf32, #tpu.memory_space<vmem>>, vector<1x2048x32xf32>
    %get3A_8 = vector.shape_cast %get3A_7 : vector<1x2048x32xf32> to vector<2048x32xf32>
    %add3A = arith.addf %get3A_3, %get3A_8 : vector<2048x32xf32>
    %get3A_9 = arith.constant 0 : index
    %get3A_10 = arith.constant 0 : index
    %get3A_11 = vector.load %arg4[%get3A_9, %get3A_10] : memref<32x1408xf32, #tpu.memory_space<vmem>>, vector<32x1408xf32>
    %dot_general3A = arith.constant dense<0.000000e+00> : vector<2048x1408xf32>
    %dot_general3A_12 = tpu.matmul %add3A, %get3A_11, %dot_general3A {dimension_numbers = #tpu.dot_dimension_numbers<[1], [0], [0], [1], [0, 0, 1, 1], [], []>, transpose_lhs_hint = false} : vector<2048x32xf32>, vector<32x1408xf32>, vector<2048x1408xf32> -> vector<2048x1408xf32>
    %get3A_13 = arith.constant 0 : index
    %get3A_14 = arith.constant 0 : index
    %get3A_15 = vector.load %arg3[%get3A_13, %get3A_14] : memref<2048x32xf32, #tpu.memory_space<vmem>>, vector<2048x32xf32>
    %get3A_16 = arith.constant 0 : index
    %get3A_17 = arith.constant 0 : index
    %get3A_18 = vector.load %arg6[%get3A_16, %get3A_17] : memref<32x1408xf32, #tpu.memory_space<vmem>>, vector<32x1408xf32>
    %dot_general3A_19 = arith.constant dense<0.000000e+00> : vector<2048x1408xf32>
    %dot_general3A_20 = tpu.matmul %get3A_15, %get3A_18, %dot_general3A_19 {dimension_numbers = #tpu.dot_dimension_numbers<[1], [0], [0], [1], [0, 0, 1, 1], [], []>, transpose_lhs_hint = false} : vector<2048x32xf32>, vector<32x1408xf32>, vector<2048x1408xf32> -> vector<2048x1408xf32>
    %add3A_21 = arith.addf %dot_general3A_12, %dot_general3A_20 : vector<2048x1408xf32>
    %get3A_22 = arith.constant 0 : index
    %get3A_23 = arith.constant 0 : index
    %get3A_24 = vector.load %arg5[%get3A_22, %get3A_23] : memref<1x1408xf32, #tpu.memory_space<vmem>>, vector<1x1408xf32>
    %add3A_25 = vector.broadcast %get3A_24 : vector<1x1408xf32> to vector<2048x1408xf32>
    %add3A_26 = arith.addf %add3A_21, %add3A_25 : vector<2048x1408xf32>
    %get3A_27 = arith.constant 0 : index
    %get3A_28 = arith.constant 0 : index
    %get3A_29 = arith.constant 0 : index
    %get3A_30 = vector.load %arg7[%get3A_27, %get3A_28, %get3A_29] : memref<1x2048x1xf32, #tpu.memory_space<vmem>>, vector<1x2048x1xf32>
    %get3A_31 = vector.shape_cast %get3A_30 : vector<1x2048x1xf32> to vector<2048x1xf32>
    %get3A_32 = arith.constant 0 : index
    %get3A_33 = arith.constant 0 : index
    %get3A_34 = arith.constant 0 : index
    %get3A_35 = vector.load %arg8[%get3A_32, %get3A_33, %get3A_34] : memref<1x2048x1xf32, #tpu.memory_space<vmem>>, vector<1x2048x1xf32>
    %get3A_36 = vector.shape_cast %get3A_35 : vector<1x2048x1xf32> to vector<2048x1xf32>
    %add3A_37 = arith.addf %get3A_31, %get3A_36 : vector<2048x1xf32>
    %min3A = arith.constant 1.000000e+01 : f32
    %min3A_38 = vector.broadcast %min3A : f32 to vector<2048x1xf32>
    %min3A_39 = arith.minimumf %add3A_37, %min3A_38 : vector<2048x1xf32>
    %iota3A = tpu.iota {dimensions = array<i32: 1>} : vector<1x1408xi32>
    %jit3A = arith.constant 128 : i32
    %div3A = vector.broadcast %jit3A : i32 to vector<1x1408xi32>
    %div3A_40 = arith.divsi %iota3A, %div3A : vector<1x1408xi32>
    %sign3A = arith.constant 0 : i32
    %sign3A_41 = vector.broadcast %sign3A : i32 to vector<1x1408xi32>
    %sign3A_42 = arith.cmpi sgt, %iota3A, %sign3A_41 : vector<1x1408xi32>
    %sign3A_43 = arith.extui %sign3A_42 : vector<1x1408xi1> to vector<1x1408xi32>
    %sign3A_44 = arith.constant 0 : i32
    %sign3A_45 = vector.broadcast %sign3A_44 : i32 to vector<1x1408xi32>
    %sign3A_46 = arith.cmpi slt, %iota3A, %sign3A_45 : vector<1x1408xi32>
    %sign3A_47 = arith.extui %sign3A_46 : vector<1x1408xi1> to vector<1x1408xi32>
    %sign3A_48 = arith.subi %sign3A_43, %sign3A_47 : vector<1x1408xi32>
    %sign3A_49 = arith.constant 0 : i32
    %sign3A_50 = arith.cmpi sgt, %jit3A, %sign3A_49 : i32
    %sign3A_51 = arith.extui %sign3A_50 : i1 to i32
    %sign3A_52 = arith.constant 0 : i32
    %sign3A_53 = arith.cmpi slt, %jit3A, %sign3A_52 : i32
    %sign3A_54 = arith.extui %sign3A_53 : i1 to i32
    %sign3A_55 = arith.subi %sign3A_51, %sign3A_54 : i32
    %ne3A = vector.broadcast %sign3A_55 : i32 to vector<1x1408xi32>
    %ne3A_56 = arith.cmpi ne, %sign3A_48, %ne3A : vector<1x1408xi32>
    %rem3A = vector.broadcast %jit3A : i32 to vector<1x1408xi32>
    %rem3A_57 = arith.remsi %iota3A, %rem3A : vector<1x1408xi32>
    %ne3A_58 = arith.constant 0 : i32
    %ne3A_59 = vector.broadcast %ne3A_58 : i32 to vector<1x1408xi32>
    %ne3A_60 = arith.cmpi ne, %rem3A_57, %ne3A_59 : vector<1x1408xi32>
    %and3A = arith.andi %ne3A_56, %ne3A_60 : vector<1x1408xi1>
    %sub3A = arith.constant 1 : i32
    %sub3A_61 = vector.broadcast %sub3A : i32 to vector<1x1408xi32>
    %sub3A_62 = arith.subi %div3A_40, %sub3A_61 : vector<1x1408xi32>
    %select_n3A = arith.select %and3A, %sub3A_62, %div3A_40 : vector<1x1408xi1>, vector<1x1408xi32>
    %convert_element_type3A = arith.sitofp %select_n3A : vector<1x1408xi32> to vector<1x1408xf32>
    %eq3A = vector.broadcast %min3A_39 : vector<2048x1xf32> to vector<2048x1408xf32>
    %eq3A_63 = vector.broadcast %convert_element_type3A : vector<1x1408xf32> to vector<2048x1408xf32>
    %eq3A_64 = arith.cmpf oeq, %eq3A, %eq3A_63 : vector<2048x1408xf32>
    %convert_element_type3A_65 = arith.extui %eq3A_64 : vector<2048x1408xi1> to vector<2048x1408xi32>
    %convert_element_type3A_66 = arith.sitofp %convert_element_type3A_65 : vector<2048x1408xi32> to vector<2048x1408xf32>
    %mul3A = arith.mulf %add3A_26, %convert_element_type3A_66 : vector<2048x1408xf32>
    %slice3A = vector.extract_strided_slice %mul3A {offsets = [0, 0], sizes = [2048, 128], strides = [1, 1]} : vector<2048x1408xf32> to vector<2048x128xf32>
    %slice3A_67 = vector.extract_strided_slice %mul3A {offsets = [0, 128], sizes = [2048, 128], strides = [1, 1]} : vector<2048x1408xf32> to vector<2048x128xf32>
    %add3A_68 = arith.addf %slice3A, %slice3A_67 : vector<2048x128xf32>
    %slice3A_69 = vector.extract_strided_slice %mul3A {offsets = [0, 256], sizes = [2048, 128], strides = [1, 1]} : vector<2048x1408xf32> to vector<2048x128xf32>
    %add3A_70 = arith.addf %add3A_68, %slice3A_69 : vector<2048x128xf32>
    %slice3A_71 = vector.extract_strided_slice %mul3A {offsets = [0, 384], sizes = [2048, 128], strides = [1, 1]} : vector<2048x1408xf32> to vector<2048x128xf32>
    %add3A_72 = arith.addf %add3A_70, %slice3A_71 : vector<2048x128xf32>
    %slice3A_73 = vector.extract_strided_slice %mul3A {offsets = [0, 512], sizes = [2048, 128], strides = [1, 1]} : vector<2048x1408xf32> to vector<2048x128xf32>
    %add3A_74 = arith.addf %add3A_72, %slice3A_73 : vector<2048x128xf32>
    %slice3A_75 = vector.extract_strided_slice %mul3A {offsets = [0, 640], sizes = [2048, 128], strides = [1, 1]} : vector<2048x1408xf32> to vector<2048x128xf32>
    %add3A_76 = arith.addf %add3A_74, %slice3A_75 : vector<2048x128xf32>
    %slice3A_77 = vector.extract_strided_slice %mul3A {offsets = [0, 768], sizes = [2048, 128], strides = [1, 1]} : vector<2048x1408xf32> to vector<2048x128xf32>
    %add3A_78 = arith.addf %add3A_76, %slice3A_77 : vector<2048x128xf32>
    %slice3A_79 = vector.extract_strided_slice %mul3A {offsets = [0, 896], sizes = [2048, 128], strides = [1, 1]} : vector<2048x1408xf32> to vector<2048x128xf32>
    %add3A_80 = arith.addf %add3A_78, %slice3A_79 : vector<2048x128xf32>
    %slice3A_81 = vector.extract_strided_slice %mul3A {offsets = [0, 1024], sizes = [2048, 128], strides = [1, 1]} : vector<2048x1408xf32> to vector<2048x128xf32>
    %add3A_82 = arith.addf %add3A_80, %slice3A_81 : vector<2048x128xf32>
    %slice3A_83 = vector.extract_strided_slice %mul3A {offsets = [0, 1152], sizes = [2048, 128], strides = [1, 1]} : vector<2048x1408xf32> to vector<2048x128xf32>
    %add3A_84 = arith.addf %add3A_82, %slice3A_83 : vector<2048x128xf32>
    %slice3A_85 = vector.extract_strided_slice %mul3A {offsets = [0, 1280], sizes = [2048, 128], strides = [1, 1]} : vector<2048x1408xf32> to vector<2048x128xf32>
    %add3A_86 = arith.addf %add3A_84, %slice3A_85 : vector<2048x128xf32>
    %swap3A = arith.constant 0 : index
    %swap3A_87 = arith.constant 0 : index
    %swap3A_88 = vector.load %arg9[%swap3A, %swap3A_87] : memref<2048x128xf32, #tpu.memory_space<vmem>>, vector<2048x128xf32>
    tpu.vector_store %arg9[%swap3A, %swap3A_87], %add3A_86 {strides = array<i32>} : memref<2048x128xf32, #tpu.memory_space<vmem>>, vector<2048x128xf32>,
    return
  }
  func.func @transform_0(%arg0: i32) -> (i32, i32, i32) {
    %c0_i32 = arith.constant 0 : i32
    %c0_i32_0 = arith.constant 0 : i32
    %c0_i32_1 = arith.constant 0 : i32
    return %c0_i32, %arg0, %c0_i32_0 : i32, i32, i32
  }
  func.func @transform_1(%arg0: i32) -> (i32, i32, i32) {
    %c1_i32 = arith.constant 1 : i32
    %c0_i32 = arith.constant 0 : i32
    %c0_i32_0 = arith.constant 0 : i32
    return %c1_i32, %arg0, %c0_i32 : i32, i32, i32
  }
  func.func @transform_2(%arg0: i32) -> (i32, i32) {
    %c0_i32 = arith.constant 0 : i32
    %c0_i32_0 = arith.constant 0 : i32
    return %arg0, %c0_i32 : i32, i32
  }
  func.func @transform_3(%arg0: i32) -> (i32, i32) {
    %c0_i32 = arith.constant 0 : i32
    %c0_i32_0 = arith.constant 0 : i32
    %c0_i32_1 = arith.constant 0 : i32
    return %c0_i32, %c0_i32_0 : i32, i32
  }
  func.func @transform_4(%arg0: i32) -> (i32, i32) {
    %c0_i32 = arith.constant 0 : i32
    %c0_i32_0 = arith.constant 0 : i32
    %c0_i32_1 = arith.constant 0 : i32
    return %c0_i32, %c0_i32_0 : i32, i32
  }
  func.func @transform_5(%arg0: i32) -> (i32, i32) {
    %c0_i32 = arith.constant 0 : i32
    %c0_i32_0 = arith.constant 0 : i32
    %c0_i32_1 = arith.constant 0 : i32
    return %c0_i32, %c0_i32_0 : i32, i32
  }
  func.func @transform_6(%arg0: i32) -> (i32, i32, i32) {
    %c0_i32 = arith.constant 0 : i32
    %c0_i32_0 = arith.constant 0 : i32
    %c0_i32_1 = arith.constant 0 : i32
    return %c0_i32, %arg0, %c0_i32_0 : i32, i32, i32
  }
  func.func @transform_7(%arg0: i32) -> (i32, i32, i32) {
    %c1_i32 = arith.constant 1 : i32
    %c0_i32 = arith.constant 0 : i32
    %c0_i32_0 = arith.constant 0 : i32
    return %c1_i32, %arg0, %c0_i32 : i32, i32, i32
  }
  func.func @transform_8(%arg0: i32) -> (i32, i32) {
    %c0_i32 = arith.constant 0 : i32
    %c0_i32_0 = arith.constant 0 : i32
    return %arg0, %c0_i32 : i32, i32
  }
}

</mosaic_0001>

<sc_bundles>
// kernel: kernel.6.cloned.1.call-start
scs
__scs_entry_jumppad:
0x0: {  	(pc) =	sbr.rel $0x88, $3  }
0x1: {  	(tag) =	ssettag $0x0;
	lr =	simm.s32 $0x1  }
0x2: {  	[smem:$0x3F99] =	sst lr;
	_ =	strace $0xD0000000  }
0x3: {  	_ = 	snop  }
0x4: {  	_ = 	snop  }
0x5: {  	_ = 	snop  }
0x6: {  	_ = 	snop  }
0x7: {  	_ = 	snop  }
__scs_overlays_trampoline_lowered:
0x8: {  	[smem:$0x3FA8] =	sst s0  }
0x9: {  	[smem:$0x3FA9] =	sst s1  }
0xa: {  	[smem:$0x3FAA] =	sst s2  }
0xb: {  	[smem:$0x3FAB] =	sst s3  }
0xc: {  	[smem:$0x3FAC] =	sst s4  }
0xd: {  	[smem:$0x3FAD] =	sst s5  }
0xe: {  	[smem:$0x3FAE] =	sst s6  }
0xf: {  	[smem:$0x3FAF] =	sst s7  }
0x10: {  	[smem:$0x3FB0] =	sst s8  }
0x11: {  	[smem:$0x3FB1] =	sst s9;
	s0 =	simm.s32 @!p0 $0x0  }
0x12: {  	s1 =	sld [smem:$0x3F97];
	s0 =	simm.s32 @p0 $0x1  }
0x13: {  	[smem:$0x3FB2] =	sst s0;
	s0 =	simm.s32 @!p1 $0x0  }
0x14: {  	s2 =	sld [smem:$0x3F96];
	s0 =	simm.s32 @p1 $0x1  }
0x15: {  	[smem:$0x3FB3] =	sst s0;
	s0 =	simm.s32 @!p2 $0x0  }
0x16: {  	s3 =	sld [smem:$0x3FDB];
	s0 =	simm.s32 @p2 $0x1  }
0x17: {  	s4 =	simm.s32 $0x1BF5;
	[smem:$0x3FB5] =	sst s0  }
0x18: {  	s0 =	sld [smem:$0x3F98];
	_ =	swait.ge [sflag:s4], $0x0  }
0x19: {  	s7 =	sld [smem:$0x3F99]  }
0x1a: {  	s8 =	sadd.s32 $0xFFFFE003, lr  }
0x1b: {  	s9 =	sadd.s32 $0xFFFFFEF7, lr;
	s5 =	simm.s32 $0xFFFFFFFF;
	p2 =	slt.u32 s8, $0xFFFFF086  }
0x1c: {  	p1 =	slt.u32 s9, $0xF7A;
	s5 =	simm.s32 @!p2 $0x0  }
0x1d: {  	s5 =	simm.s32 @p1 $0x1;
	p0 =	seq.s32 s7, s2  }
0x1e: {  	s7 =	smul.u32 @!p0 $0xF7A, s2;
	p2 =	seq.s32 @!p0 s5, $0x0  }
0x1f: {  	s9 =	smul.u32 $0xF7A, s1;
	s8 =	simm.s32 @!p0 $0x1BF5;
	p2 =	por !p2, p0  }
0x20: {  	[sflag:s8] =	ssyncset.s32 @!p0 $0xFFFFF086;
	s6 =	sadd.s32 @!p0 s3, s7;
	s7 =	simm.s32 @!p0 $0x108  }
0x21: {  	s3 =	sadd.s32 s3, s9;
	s6 =	sadd.s32 @!p0 $0x88, s6;
	s7 =	simm.s32 @p2 $0x1082  }
0x22: {  	[simem:s7], [sflag:s8] =	dma.local @!p0 [hbm:s6], $0xF7A  }
0x23: {  	s9 =	sor.u32 $0xD0000000, s2;
	s6 =	simm.s32 $0x108;
	_ =	swait.ge @!p0 [sflag:s8], $0x0  }
0x24: {  	s3 =	sadd.s32 $0x88, s3;
	s6 =	simm.s32 @!p1 $0x1082;
	[sflag:s4] =	ssyncset.s32 $0xFFFFF086  }
0x25: {  	[simem:s6], [sflag:s4] =	dma.local [hbm:s3], $0xF7A  }
0x26: {  	[smem:$0x3F99] =	sst s1;
	(tag) =	ssettag s2;
	_ =	strace s9  }
0x27: {  	s1 =	sld [smem:$0x3FA9]  }
0x28: {  	s2 =	sld [smem:$0x3FAA]  }
0x29: {  	s4 =	sld [smem:$0x3FAC]  }
0x2a: {  	p0 =	seq.s32 s5, $0x0;
	s5 =	sld [smem:$0x3FAD]  }
0x2b: {  	s6 =	sld [smem:$0x3FAE]  }
0x2c: {  	s7 =	sld [smem:$0x3FAF]  }
0x2d: {  	s3 =	simm.s32 $0x108;
	s8 =	sld [smem:$0x3FB0]  }
0x2e: {  	s3 =	simm.s32 @!p0 $0x1082;
	s9 =	sld [smem:$0x3FB1]  }
0x2f: {  	lr =	sadd.s32 s0, s3;
	s0 =	sld [smem:$0x3FA8]  }
0x30: {  	s3 =	sld [smem:$0x3FAB]  }
0x31: {  	[smem:$0x3FB4] =	sst s10  }
0x32: {  	s10 =	sld [smem:$0x3FB2];
	_ =	sdelay $0x3  }
0x33: {  	p0 =	seq.s32 s10, $0x1;
	s10 =	sld [smem:$0x3FB4];
	_ =	sdelay $0x3  }
0x34: {  	[smem:$0x3FB4] =	sst s10  }
0x35: {  	s10 =	sld [smem:$0x3FB3];
	_ =	sdelay $0x3  }
0x36: {  	p1 =	seq.s32 s10, $0x1;
	s10 =	sld [smem:$0x3FB4];
	_ =	sdelay $0x3  }
0x37: {  	[smem:$0x3FB4] =	sst s10  }
0x38: {  	s10 =	sld [smem:$0x3FB5]  }
0x39: {  	_ = 	snop;
	(pc) =	sbr.ind lr, $3  }
0x3a: {  	_ = 	snop  }
0x3b: {  	_ = 	snop  }
0x3c: {  	p2 =	seq.s32 s10, $0x1;
	s10 =	sld [smem:$0x3FB4]  }
0x3d: {  	_ =	shalt  }
0x3e: {  	_ =	shalt  }
0x3f: {  	_ =	shalt  }
0x40: {  	_ =	shalt  }
0x41: {  	_ =	shalt  }
0x42: {  	_ =	shalt  }
0x43: {  	_ =	shalt  }
0x44: {  	_ =	shalt  }
0x45: {  	_ =	shalt  }
0x46: {  	_ =	shalt  }
0x47: {  	_ =	shalt  }
0x48: {  	_ =	shalt  }
0x49: {  	_ =	shalt  }
0x4a: {  	_ =	shalt  }
0x4b: {  	_ =	shalt  }
0x4c: {  	_ =	shalt  }
0x4d: {  	_ =	shalt  }
0x4e: {  	_ =	shalt  }
0x4f: {  	_ =	shalt  }
0x50: {  	_ =	shalt  }
0x51: {  	_ =	shalt  }
0x52: {  	_ =	shalt  }
0x53: {  	_ =	shalt  }
0x54: {  	_ =	shalt  }
0x55: {  	_ =	shalt  }
0x56: {  	_ =	shalt  }
0x57: {  	_ =	shalt  }
0x58: {  	_ =	shalt  }
0x59: {  	_ =	shalt  }
0x5a: {  	_ =	shalt  }
0x5b: {  	_ =	shalt  }
0x5c: {  	_ =	shalt  }
0x5d: {  	_ =	shalt  }
0x5e: {  	_ =	shalt  }
0x5f: {  	_ =	shalt  }
0x60: {  	_ =	shalt  }
0x61: {  	_ =	shalt  }
0x62: {  	_ =	shalt  }
0x63: {  	_ =	shalt  }
0x64: {  	_ =	shalt  }
0x65: {  	_ =	shalt  }
0x66: {  	_ =	shalt  }
0x67: {  	_ =	shalt  }
0x68: {  	_ =	shalt  }
0x69: {  	_ =	shalt  }
0x6a: {  	_ =	shalt  }
0x6b: {  	_ =	shalt  }
0x6c: {  	_ =	shalt  }
0x6d: {  	_ =	shalt  }
0x6e: {  	_ =	shalt  }
0x6f: {  	_ =	shalt  }
0x70: {  	_ =	shalt  }
0x71: {  	_ =	shalt  }
0x72: {  	_ =	shalt  }
0x73: {  	_ =	shalt  }
0x74: {  	_ =	shalt  }
0x75: {  	_ =	shalt  }
0x76: {  	_ =	shalt  }
0x77: {  	_ =	shalt  }
0x78: {  	_ =	shalt  }
0x79: {  	_ =	shalt  }
0x7a: {  	_ =	shalt  }
0x7b: {  	_ =	shalt  }
0x7c: {  	_ =	shalt  }
0x7d: {  	_ =	shalt  }
0x7e: {  	_ =	shalt  }
0x7f: {  	_ =	shalt  }
0x80: {  	_ =	shalt  }
0x81: {  	_ =	shalt  }
0x82: {  	_ =	shalt  }
0x83: {  	_ =	shalt  }
0x84: {  	_ =	shalt  }
0x85: {  	_ =	shalt  }
0x86: {  	_ =	shalt  }
0x87: {  	_ =	shalt  }
.Lfunc_end0:
.L_simem_size_0:
called_computation_lowered:
.L_overlay_start_0:
0x88: {  	s2 =	sld [smem:$0x3FD9]  }
0x89: {  	s3 =	sld [smem:$0x3FFE];
	_ =	sdelay $0x1  }
0x8a: {  	s1 =	srdreg.scid  }
0x8b: {  	s0 =	sand.u32 $0x1, s1  }
0x8c: {  	s17 =	sshll.u32 s0, $0xA;
	s2 =	sadd.s32 s3, s2  }
0x8d: {  	s2 =	sadd.s32 s2, s17  }
0x8e: {  	[smem:$0x3FC0] =	sst s2  }
0x8f: {  	_ = 	snop  }
0x90: {  	s2 =	sld [smem:$0x3FC9]  }
0x91: {  	s18 =	sld [smem:$0x3FD0];
	(tm) =	ssettm $0x1  }
0x92: {  	s4 =	sld [smem:$0x3FFB];
	_ =	sdelay $0x3  }
0x93: {  	_ =	strace s4  }
0x94: {  	s4 =	sld [smem:$0x3FFC];
	_ =	sdelay $0x3  }
0x95: {  	_ =	strace s4  }
0x96: {  	s4 =	sld [smem:$0x3FFD];
	_ =	sdelay $0x3  }
0x97: {  	_ =	strace s4  }
0x98: {  	_ =	strace $0x8FFFFFFF  }
0x99: {  	s19 =	sld [smem:$0x3FDB];
	_ =	sdelay $0x1  }
0x9a: {  	s5 =	simm.s32 $_scs_section_size  }
0x9b: {  	s6 =	simm.s32 $_size__tile_overlayer_lowered;
	s7 =	simm.s32 $_tile_overlayer_lowered  }
0x9c: {  	s22 =	simm.s32 $0x1BFF;
	s21 =	sshll.u32 s7, $0x1;
	s4 =	sadd.s32 s5, s19  }
0x9d: {  	s8 =	simm.s32 $0x0;
	s20 =	sshll.u32 s6, $0x1;
	s6 =	sadd.s32 s21, s4  }
0x9e: {  	[timem:s8], [sflag:s22] =	dma.local [hbm:s6], s20  }
0x9f: {  	_ =	swait.ge [sflag:s22], s20  }
0xa0: {  	s5 =	ssub.s32 $0x0, s20;
	[sflag:s22] =	ssyncset.done $0x0  }
0xa1: {  	[sflag:s22] =	ssyncadd.s32 s5;
	_ =	sdelay $0x1  }
0xa2: {  	s23 =	simm.s32 $0x1B8B  }
0xa3: {  	_ =	swait.ge [sflag:s23], $0x1  }
0xa4: {  	[sflag:s23] =	ssyncset.done $0x0  }
0xa5: {  	s25 =	simm.s32 $0x1B8E;
	s24 =	sld [smem:$0x3FFE];
	[sflag:s23] =	ssyncadd.s32 $0xFFFFFFFF  }
0xa6: {  	s26 =	simm.s32 $execute0_lowered;
	[smem:$0x3FD2] =	sst s25  }
0xa7: {  	s6 =	sshll.u32 s26, $0x1;
	_ =	strace $0x80000046;
	[dreg:$0x1] =	wrdreg $0xFFFFFFFF  }
0xa8: {  	s28 =	simm.s32 $_size_execute0_lowered;
	s4 =	sadd.s32 s4, s6;
	[dreg:$0x0] =	wrdreg $0x0  }
0xa9: {  	s6 =	sshll.u32 s28, $0x1;
	[dreg:$0x2] =	wrdreg s4  }
0xaa: {  	[dreg:$0x3] =	wrdreg s6  }
0xab: {  	[dreg:$0x4] =	wrdreg $0xC0  }
0xac: {  	_ =	task [dreg:s8], $0x5FFFF  }
0xad: {  	[dreg:$0x1] =	wrdreg $0xFFFFFFFF  }
0xae: {  	[dreg:$0x0] =	wrdreg $0x60  }
0xaf: {  	[dreg:$0x2] =	wrdreg s2  }
0xb0: {  	[dreg:$0x3] =	wrdreg s24  }
0xb1: {  	[dreg:$0x4] =	wrdreg s18  }
0xb2: {  	[dreg:$0x5] =	wrdreg $0x4E200  }
0xb3: {  	[dreg:$0x6] =	wrdreg $0x1E0F00  }
0xb4: {  	[dreg:$0x7] =	wrdreg $0x9  }
0xb5: {  	_ =	task.clear_ibuf [dreg:s8], $0x8FFFF;
	_ =	strace $0x90000046  }
0xb6: {  	s29 =	simm.s32 $0x9;
	_ =	strace $0x80000048  }
0xb7: {  	_ =	swait.ge [sflag:s29], $0x1  }
0xb8: {  	[sflag:s29] =	ssyncadd.s32 $0xFFFFFFFF  }
0xb9: {  	_ =	strace $0x90000048  }
0xba: {  	_ =	sfence  }
0xbb: {  	s30 =	sld [smem:$0x0];
	_ =	sdelay $0x2  }
0xbc: {  	s31 =	sshll.u32 s1, $0xD;
	s1 =	sshrl.u32 s1, $0x2  }
0xbd: {  	s3 =	sand.u32 $0x4000, s31;
	s1 =	sadd.s32 s1, s30  }
0xbe: {  	s0 =	sor.u32 s3, s0;
	s1 =	sshll.u32 s1, $0x11  }
0xbf: {  	s0 =	sor.u32 s1, s0  }
0xc0: {  	s0 =	sadd.s32 $0x8F2B, s0  }
0xc1: {  	[sflag:s0] =	ssyncadd.remote.s32 $0x1  }
0xc2: {  	_ =	sfence.sel $0xFFFF  }
0xc3: {  	[dreg:$0x0] =	wrdreg $0xFFFFFFFF;
	(pc) =	sbr.abs _section_cstart, $3  }
0xc4: {  	[dreg:$0x1] =	wrdreg $0xFFFFFFFF  }
0xc5: {  	_ =	task.clear_ibuf [dreg:s8], $0x2FFFF;
	_ =	strace $0x9FFFFFFF  }
0xc6: {  	(tm) =	ssettm $0x7FFFFFFF  }
0xc7: {  	_ =	shalt  }
tec
execute0_lowered:
.L_overlay_start_1:
0x0: {  	(tag) =	ssettag $0x1  }
0x1: {  	s0 =	rddreg [dreg:$0x0]  }
0x2: {  	s1 =	srdreg.scid;
	s2 =	rddreg [dreg:$0x1]  }
0x3: {  	s6 =	rddreg [dreg:$0x2];
	s13 =	stileid.u32  }
0x4: {  	s3 =	rddreg [dreg:$0x3];
	s20 =	simm.s32 $0x6;
	s22 =	simm.s32 $0x18E20  }
0x5: {  	s28 =	simm.s32 $0x1;
	s29 =	simm.s32 $0x1DE20;
	s9 =	smul.u32 $0x14000, s13  }
0x6: {  	s30 =	simm.s32 $0x3;
	s31 =	simm.s32 $0x2;
	s12 =	smul.u32 $0x280, s13  }
0x7: {  	s21 =	simm.s32 $0x5;
	s1 =	sand.u32 $0x1, s1;
	s25 =	smul.u32 $0x50000, s13  }
0x8: {  	s23 =	simm.s32 $0x4D80;
	s4 =	sshll.u32 s1, $0x4;
	s8 =	smul.u32 $0x140000, s1  }
0x9: {  	s10 =	ssub.s32 $0x2, s1;
	s1 =	smul.u32 $0x2800, s1;
	s5 =	sor.u32 s13, s4  }
0xa: {  	s4 =	rddreg [dreg:$0x4];
	s11 =	sshrl.u32 s10, $0x1;
	s26 =	sadd.s32 s9, s3  }
0xb: {  	s7 =	smul.u32 $0x4E2, s5;
	s5 =	simm.s32 $0x0;
	s8 =	sadd.s32 s9, s8  }
0xc: {  	s11 =	ssub.s32 s10, s11;
	s1 =	sadd.s32 s12, s1;
	[smem:$0x7FF] =	sst s5  }
0xd: {  	s8 =	sshrl.u32 s8, $0x3;
	s1 =	sshrl.u32 s1, $0x3;
	s11 =	smax.u32 s11, $0x1  }
0xe: {  	_ =	strace $0x80000047;
	s7 =	sadd.s32 s7, s2;
	s1 =	sadd.s32 s6, s1  }
0xf: {  	s2 =	sadd.s32 s8, s2;
	s24 =	sadd.s32 $0xBA00, s7;
	[dreg:$0x9] =	wrdreg s1  }
0x10: {  	s8 =	sadd.s32 s12, s4;
	s7 =	sadd.s32 $0x1C00, s7;
	[dreg:$0x6] =	wrdreg s24  }
0x11: {  	s6 =	simm.s32 $0x4DD0;
	s2 =	sadd.s32 $0x15800, s2;
	[dreg:$0x7] =	wrdreg s7  }
0x12: {  	s1 =	simm.s32 $0x4D30;
	[dreg:$0x8] =	wrdreg s2;
	s7 =	sshrl.u32 s25, $0x2  }
0x13: {  	s24 =	simm.s32 $0x50;
	s25 =	sshrl.u32 s26, $0x3;
	s12 =	sadd.s32 s7, s3  }
0x14: {  	s26 =	simm.s32 $0x1B620;
	s2 =	simm.s32 $0x4;
	s13 =	sadd.s32 $0x2800, s12  }
0x15: {  	s14 =	sadd.s32 $0x5000, s12;
	s15 =	sadd.s32 $0x7800, s12;
	s16 =	sadd.s32 $0xA000, s12  }
0x16: {  	v0 =	vimm.f32 $0.0e+00;
	v1 =	vimm.f32 $1.000000000e+00;
	s17 =	sadd.s32 $0xC800, s12;
	s18 =	sadd.s32 $0xF000, s12;
	s19 =	sadd.s32 $0x11800, s12  }
.LBB2_1:
0x17: {  	s7 =	simm.s32 $0x0;
	s9 =	simm.s32 $0x200  }
.LBB2_2:
0x18: {  	p0 =	sne.s32 s9, $0x9E00;
	[tilespmem:s7+$0x18E90] =	vst v0  }
0x19: {  	[tilespmem:s7+$0x18E20] =	vst v0  }
0x1a: {  	[tilespmem:s7+$0x18E30] =	vst v0  }
.Ltmp0:
0x1b: {  	[tilespmem:s7+$0x18E40] =	vst v0;
	(pc) =	sbr.rel @p0 .LBB2_2-.Ltmp0, $4  }
0x1c: {  	[tilespmem:s7+$0x18E50] =	vst v0  }
0x1d: {  	[tilespmem:s7+$0x18E60] =	vst v0  }
0x1e: {  	[tilespmem:s7+$0x18E70] =	vst v0  }
0x1f: {  	[tilespmem:s7+$0x18E80] =	vst v0;
	s7 =	sshra.s32 s9, $0x2;
	s9 =	sadd.s32 $0x200, s9  }
0x20: {  	[tilespmem:s7+$0x18E90] =	vst v0  }
0x21: {  	[tilespmem:s7+$0x18E20] =	vst v0  }
0x22: {  	[tilespmem:s7+$0x18E30] =	vst v0  }
0x23: {  	[tilespmem:s7+$0x18E40] =	vst v0  }
0x24: {  	[tilespmem:s7+$0x18E50] =	vst v0  }
0x25: {  	[tilespmem:s7+$0x18E60] =	vst v0  }
0x26: {  	[tilespmem:s7+$0x18E70] =	vst v0  }
0x27: {  	[tilespmem:s7+$0x18E80] =	vst v0;
	s7 =	simm.s32 $0x0;
	s9 =	rddreg [dreg:$0x6]  }
0x28: {  	[tilespmem:s7], [sflag:$0x6] =	stream.linear.gather [hbm4b:s9+s7], $0x2710, $0x38;
	[tilespmem:$0x1E370] =	vst v63  }
0x29: {  	_ =	swait.ge [sflag:s20], $0x2710  }
0x2a: {  	[sflag:s20] =	ssyncset.done $0x0  }
0x2b: {  	s10 =	simm.s32 $0x2710;
	s9 =	rddreg [dreg:$0x7];
	[sflag:s20] =	ssyncadd.s32 $0xFFFFD8F0  }
0x2c: {  	[tilespmem:s10], [sflag:$0x6] =	stream.linear.gather [hbm4b:s9+s7], $0x2710, $0x38;
	[tilespmem:$0x1E370] =	vst v63  }
0x2d: {  	_ =	swait.ge [sflag:s20], $0x2710  }
0x2e: {  	[sflag:s20] =	ssyncset.done $0x0  }
0x2f: {  	[sflag:s20] =	ssyncadd.s32 $0xFFFFD8F0  }
0x30: {  	[spmem:s12] =	stream.linear.scatter [tilespmem:s22], [sflag:$0x6], $0x2800, $0x38;
	[tilespmem:$0x1E370] =	vst v63  }
0x31: {  	_ =	swait.ge [sflag:s20], $0x2800  }
0x32: {  	[sflag:s20] =	ssyncset.done $0x0  }
0x33: {  	[sflag:s20] =	ssyncadd.s32 $0xFFFFD800  }
0x34: {  	[spmem:s13] =	stream.linear.scatter [tilespmem:s22], [sflag:$0x6], $0x2800, $0x38;
	[tilespmem:$0x1E370] =	vst v63  }
0x35: {  	_ =	swait.ge [sflag:s20], $0x2800  }
0x36: {  	[sflag:s20] =	ssyncset.done $0x0  }
0x37: {  	[sflag:s20] =	ssyncadd.s32 $0xFFFFD800  }
0x38: {  	[spmem:s14] =	stream.linear.scatter [tilespmem:s22], [sflag:$0x6], $0x2800, $0x38;
	[tilespmem:$0x1E370] =	vst v63  }
0x39: {  	_ =	swait.ge [sflag:s20], $0x2800  }
0x3a: {  	[sflag:s20] =	ssyncset.done $0x0  }
0x3b: {  	[sflag:s20] =	ssyncadd.s32 $0xFFFFD800  }
0x3c: {  	[spmem:s15] =	stream.linear.scatter [tilespmem:s22], [sflag:$0x6], $0x2800, $0x38;
	[tilespmem:$0x1E370] =	vst v63  }
0x3d: {  	_ =	swait.ge [sflag:s20], $0x2800  }
0x3e: {  	[sflag:s20] =	ssyncset.done $0x0  }
0x3f: {  	[sflag:s20] =	ssyncadd.s32 $0xFFFFD800  }
0x40: {  	[spmem:s16] =	stream.linear.scatter [tilespmem:s22], [sflag:$0x6], $0x2800, $0x38;
	[tilespmem:$0x1E370] =	vst v63  }
0x41: {  	_ =	swait.ge [sflag:s20], $0x2800  }
0x42: {  	[sflag:s20] =	ssyncset.done $0x0  }
0x43: {  	[sflag:s20] =	ssyncadd.s32 $0xFFFFD800  }
0x44: {  	[spmem:s17] =	stream.linear.scatter [tilespmem:s22], [sflag:$0x6], $0x2800, $0x38;
	[tilespmem:$0x1E370] =	vst v63  }
0x45: {  	_ =	swait.ge [sflag:s20], $0x2800  }
0x46: {  	[sflag:s20] =	ssyncset.done $0x0  }
0x47: {  	[sflag:s20] =	ssyncadd.s32 $0xFFFFD800  }
0x48: {  	[spmem:s18] =	stream.linear.scatter [tilespmem:s22], [sflag:$0x6], $0x2800, $0x38;
	[tilespmem:$0x1E370] =	vst v63  }
0x49: {  	_ =	swait.ge [sflag:s20], $0x2800  }
0x4a: {  	[sflag:s20] =	ssyncset.done $0x0  }
0x4b: {  	[sflag:s20] =	ssyncadd.s32 $0xFFFFD800  }
0x4c: {  	[spmem:s19] =	stream.linear.scatter [tilespmem:s22], [sflag:$0x6], $0x2800, $0x38;
	[tilespmem:$0x1E370] =	vst v63  }
0x4d: {  	_ =	swait.ge [sflag:s20], $0x2800  }
0x4e: {  	[sflag:s20] =	ssyncset.done $0x0  }
0x4f: {  	[sflag:s20] =	ssyncadd.s32 $0xFFFFD800  }
0x50: {  	[tilespmem:$0x1DE70] =	vst v0  }
0x51: {  	[tilespmem:$0x1DE80] =	vst v0  }
0x52: {  	[tilespmem:$0x1DE90] =	vst v0  }
0x53: {  	[tilespmem:$0x1DEA0] =	vst v0  }
0x54: {  	[tilespmem:$0x1DEB0] =	vst v0  }
0x55: {  	[tilespmem:$0x1DEC0] =	vst v0  }
0x56: {  	[tilespmem:$0x1DED0] =	vst v0  }
0x57: {  	[tilespmem:$0x1DEE0] =	vst v0  }
0x58: {  	[tilespmem:$0x1DEF0] =	vst v0  }
0x59: {  	[tilespmem:$0x1DF00] =	vst v0  }
0x5a: {  	[tilespmem:$0x1DF10] =	vst v0  }
0x5b: {  	[tilespmem:$0x1DF20] =	vst v0  }
0x5c: {  	[tilespmem:$0x1DF30] =	vst v0  }
0x5d: {  	[tilespmem:$0x1DF40] =	vst v0  }
0x5e: {  	[tilespmem:$0x1DF50] =	vst v0  }
0x5f: {  	[tilespmem:$0x1DF60] =	vst v0  }
0x60: {  	[tilespmem:$0x1DF70] =	vst v0  }
0x61: {  	[tilespmem:$0x1DF80] =	vst v0  }
0x62: {  	[tilespmem:$0x1DF90] =	vst v0  }
0x63: {  	[tilespmem:$0x1DFA0] =	vst v0  }
0x64: {  	[tilespmem:$0x1DFB0] =	vst v0  }
0x65: {  	[tilespmem:$0x1DFC0] =	vst v0  }
0x66: {  	[tilespmem:$0x1DFD0] =	vst v0  }
0x67: {  	[tilespmem:$0x1DFE0] =	vst v0  }
0x68: {  	[tilespmem:$0x1DFF0] =	vst v0  }
0x69: {  	[tilespmem:$0x1E000] =	vst v0  }
0x6a: {  	[tilespmem:$0x1E010] =	vst v0  }
0x6b: {  	[tilespmem:$0x1E020] =	vst v0  }
0x6c: {  	[tilespmem:$0x1E030] =	vst v0  }
0x6d: {  	[tilespmem:$0x1E040] =	vst v0  }
0x6e: {  	[tilespmem:$0x1E050] =	vst v0  }
0x6f: {  	[tilespmem:$0x1E060] =	vst v0  }
0x70: {  	[tilespmem:$0x1E070] =	vst v0  }
0x71: {  	[tilespmem:$0x1E080] =	vst v0  }
0x72: {  	[tilespmem:$0x1E090] =	vst v0  }
0x73: {  	[tilespmem:$0x1E0A0] =	vst v0  }
0x74: {  	[tilespmem:$0x1E0B0] =	vst v0  }
0x75: {  	[tilespmem:$0x1E0C0] =	vst v0  }
0x76: {  	[tilespmem:$0x1E0D0] =	vst v0  }
0x77: {  	[tilespmem:$0x1E0E0] =	vst v0  }
0x78: {  	[tilespmem:$0x1DE20] =	vst v1  }
0x79: {  	[tilespmem:$0x1DE30] =	vst v1  }
0x7a: {  	[tilespmem:$0x1DE40] =	vst v1  }
0x7b: {  	[tilespmem:$0x1DE50] =	vst v1  }
0x7c: {  	s10 =	simm.s32 $0x1DE70;
	[tilespmem:$0x1DE60] =	vst v1  }
0x7d: {  	[spmem:s8] =	stream.linear.scatter [tilespmem:s10], [sflag:$0x6], $0x280, $0x38;
	[tilespmem:$0x1E370] =	vst v63  }
0x7e: {  	_ =	swait.ge [sflag:s20], $0x280  }
0x7f: {  	[sflag:s20] =	ssyncset.done $0x0  }
0x80: {  	[sflag:s20] =	ssyncadd.s32 $0xFFFFFD80  }
0x81: {  	[bflag:$0x0] =	sbarrier.arrive $0xFFFF  }
0x82: {  	[tilespmem:s22], [sflag:$0x1] =	stream.indirect.gather [hbm4b:s0+s24], $0x80, s7, s24, $0xb8;
	[tilespmem:$0x1E370] =	vst v63  }
0x83: {  	_ = 	snop  }
0x84: {  	[tilespmem:s26], [sflag:$0x2] =	stream.indirect.gather [hbm4b:s0+s24], $0x80, s24, s24, $0xb8;
	[tilespmem:$0x1E370] =	vst v63  }
0x85: {  	_ =	swait.ge [sflag:s28], $0x2800  }
0x86: {  	[sflag:s28] =	ssyncset.done $0x0  }
0x87: {  	s9 =	simm.s32 $0x2710;
	[sflag:s28] =	ssyncadd.s32 $0xFFFFD800  }
0x88: {  	[spmem:s4] =	stream.indirect.scatter.add.f32 [tilespmem:s29], [sflag:$0x5], $0x1, s9, s24, $0xb8;
	[tilespmem:$0x1E370] =	vst v63  }
0x89: {  	_ = 	snop  }
0x8a: {  	[spmem:s3] =	stream.indirect.scatter.add.f32 [tilespmem:s22], [sflag:$0x3], $0x80, s9, s24, $0xb8;
	[tilespmem:$0x1E370] =	vst v63  }
0x8b: {  	_ =	swait.ge [sflag:s30], $0x2800  }
0x8c: {  	[sflag:s30] =	ssyncset.done $0x0  }
0x8d: {  	s10 =	simm.s32 $0xA0;
	[sflag:s30] =	ssyncadd.s32 $0xFFFFD800  }
0x8e: {  	[tilespmem:s22], [sflag:$0x1] =	stream.indirect.gather [hbm4b:s0+s24], $0x80, s10, s24, $0xb8;
	[tilespmem:$0x1E370] =	vst v63  }
0x8f: {  	_ =	swait.ge [sflag:s31], $0x2800  }
0x90: {  	[sflag:s31] =	ssyncset.done $0x0  }
0x91: {  	s9 =	simm.s32 $0x2760;
	[sflag:s31] =	ssyncadd.s32 $0xFFFFD800  }
0x92: {  	[spmem:s4] =	stream.indirect.scatter.add.f32 [tilespmem:s29], [sflag:$0x5], $0x1, s9, s24, $0xb8;
	[tilespmem:$0x1E370] =	vst v63  }
0x93: {  	_ = 	snop  }
0x94: {  	[spmem:s3] =	stream.indirect.scatter.add.f32 [tilespmem:s26], [sflag:$0x4], $0x80, s9, s24, $0xb8;
	[tilespmem:$0x1E370] =	vst v63  }
0x95: {  	_ =	swait.ge [sflag:s2], $0x2800  }
0x96: {  	[sflag:s2] =	ssyncset.done $0x0  }
0x97: {  	s10 =	simm.s32 $0xF0;
	[sflag:s2] =	ssyncadd.s32 $0xFFFFD800  }
0x98: {  	[tilespmem:s26], [sflag:$0x2] =	stream.indirect.gather [hbm4b:s0+s24], $0x80, s10, s24, $0xb8;
	[tilespmem:$0x1E370] =	vst v63  }
0x99: {  	_ =	swait.ge [sflag:s21], $0x50  }
0x9a: {  	[sflag:s21] =	ssyncset.done $0x0  }
0x9b: {  	[sflag:s21] =	ssyncadd.s32 $0xFFFFFFB0  }
0x9c: {  	_ =	swait.ge [sflag:s21], $0x50  }
0x9d: {  	s7 =	simm.s32 $0x280;
	[sflag:s21] =	ssyncset.done $0x0  }
.LBB2_4:
0x9e: {  	p0 =	sne.s32 s7, $0x9600  }
0x9f: {  	[sflag:s21] =	ssyncadd.s32 $0xFFFFFFB0;
	s9 =	smov.u32 s7;
	s7 =	sadd.s32 $0x280, s7  }
0xa0: {  	_ =	swait.ge [sflag:s28], $0x2800  }
0xa1: {  	s9 =	sshra.s32 s9, $0x2;
	[sflag:s28] =	ssyncset.done $0x0  }
0xa2: {  	s10 =	sadd.s32 $0x2710, s9;
	[sflag:s28] =	ssyncadd.s32 $0xFFFFD800  }
0xa3: {  	[spmem:s4] =	stream.indirect.scatter.add.f32 [tilespmem:s29], [sflag:$0x5], $0x1, s10, s24, $0xb8;
	[tilespmem:$0x1E370] =	vst v63  }
0xa4: {  	_ = 	snop  }
0xa5: {  	[spmem:s3] =	stream.indirect.scatter.add.f32 [tilespmem:s22], [sflag:$0x3], $0x80, s10, s24, $0xb8;
	[tilespmem:$0x1E370] =	vst v63  }
0xa6: {  	_ =	swait.ge [sflag:s30], $0x2800  }
0xa7: {  	[sflag:s30] =	ssyncset.done $0x0  }
0xa8: {  	s10 =	sadd.s32 $0xA0, s9;
	[sflag:s30] =	ssyncadd.s32 $0xFFFFD800  }
0xa9: {  	[tilespmem:s22], [sflag:$0x1] =	stream.indirect.gather [hbm4b:s0+s24], $0x80, s10, s24, $0xb8;
	[tilespmem:$0x1E370] =	vst v63  }
0xaa: {  	_ =	swait.ge [sflag:s31], $0x2800  }
0xab: {  	[sflag:s31] =	ssyncset.done $0x0  }
0xac: {  	s10 =	sadd.s32 $0x2760, s9;
	[sflag:s31] =	ssyncadd.s32 $0xFFFFD800  }
0xad: {  	[spmem:s4] =	stream.indirect.scatter.add.f32 [tilespmem:s29], [sflag:$0x5], $0x1, s10, s24, $0xb8;
	[tilespmem:$0x1E370] =	vst v63  }
0xae: {  	_ = 	snop  }
0xaf: {  	[spmem:s3] =	stream.indirect.scatter.add.f32 [tilespmem:s26], [sflag:$0x4], $0x80, s10, s24, $0xb8;
	[tilespmem:$0x1E370] =	vst v63  }
0xb0: {  	_ =	swait.ge [sflag:s2], $0x2800  }
0xb1: {  	[sflag:s2] =	ssyncset.done $0x0  }
0xb2: {  	s9 =	sadd.s32 $0xF0, s9;
	[sflag:s2] =	ssyncadd.s32 $0xFFFFD800  }
0xb3: {  	[tilespmem:s26], [sflag:$0x2] =	stream.indirect.gather [hbm4b:s0+s24], $0x80, s9, s24, $0xb8;
	[tilespmem:$0x1E370] =	vst v63  }
.Ltmp1:
0xb4: {  	_ =	swait.ge [sflag:s21], $0x50;
	(pc) =	sbr.rel @p0 .LBB2_4-.Ltmp1, $4  }
0xb5: {  	[sflag:s21] =	ssyncset.done $0x0  }
0xb6: {  	[sflag:s21] =	ssyncadd.s32 $0xFFFFFFB0  }
0xb7: {  	_ =	swait.ge [sflag:s21], $0x50  }
0xb8: {  	[sflag:s21] =	ssyncset.done $0x0  }
0xb9: {  	[sflag:s21] =	ssyncadd.s32 $0xFFFFFFB0  }
0xba: {  	_ =	swait.ge [sflag:s28], $0x2800  }
0xbb: {  	[sflag:s28] =	ssyncset.done $0x0  }
0xbc: {  	[sflag:s28] =	ssyncadd.s32 $0xFFFFD800  }
0xbd: {  	[spmem:s4] =	stream.indirect.scatter.add.f32 [tilespmem:s29], [sflag:$0x5], $0x1, s1, s24, $0xb8;
	[tilespmem:$0x1E370] =	vst v63  }
0xbe: {  	_ = 	snop  }
0xbf: {  	[spmem:s3] =	stream.indirect.scatter.add.f32 [tilespmem:s22], [sflag:$0x3], $0x80, s1, s24, $0xb8;
	[tilespmem:$0x1E370] =	vst v63  }
0xc0: {  	_ =	swait.ge [sflag:s30], $0x2800  }
0xc1: {  	[sflag:s30] =	ssyncset.done $0x0  }
0xc2: {  	s7 =	simm.s32 $0x26C0;
	[sflag:s30] =	ssyncadd.s32 $0xFFFFD800  }
0xc3: {  	[tilespmem:s22], [sflag:$0x1] =	stream.indirect.gather [hbm4b:s0+s24], $0x80, s7, s24, $0xb8;
	[tilespmem:$0x1E370] =	vst v63  }
0xc4: {  	_ =	swait.ge [sflag:s31], $0x2800  }
0xc5: {  	[sflag:s31] =	ssyncset.done $0x0  }
0xc6: {  	[sflag:s31] =	ssyncadd.s32 $0xFFFFD800  }
0xc7: {  	[spmem:s4] =	stream.indirect.scatter.add.f32 [tilespmem:s29], [sflag:$0x5], $0x1, s23, s24, $0xb8;
	[tilespmem:$0x1E370] =	vst v63  }
0xc8: {  	_ = 	snop  }
0xc9: {  	[spmem:s3] =	stream.indirect.scatter.add.f32 [tilespmem:s26], [sflag:$0x4], $0x80, s23, s24, $0xb8;
	[tilespmem:$0x1E370] =	vst v63  }
0xca: {  	_ =	swait.ge [sflag:s2], $0x2800  }
0xcb: {  	[sflag:s2] =	ssyncset.done $0x0  }
0xcc: {  	[sflag:s2] =	ssyncadd.s32 $0xFFFFD800  }
0xcd: {  	_ =	swait.ge [sflag:s21], $0x50  }
0xce: {  	[sflag:s21] =	ssyncset.done $0x0  }
0xcf: {  	[sflag:s21] =	ssyncadd.s32 $0xFFFFFFB0  }
0xd0: {  	_ =	swait.ge [sflag:s21], $0x50  }
0xd1: {  	[sflag:s21] =	ssyncset.done $0x0  }
0xd2: {  	[sflag:s21] =	ssyncadd.s32 $0xFFFFFFB0  }
0xd3: {  	_ =	swait.ge [sflag:s28], $0x2800  }
0xd4: {  	[sflag:s28] =	ssyncset.done $0x0  }
0xd5: {  	[sflag:s28] =	ssyncadd.s32 $0xFFFFD800  }
0xd6: {  	[spmem:s3] =	stream.indirect.scatter.add.f32 [tilespmem:s22], [sflag:$0x3], $0x80, s6, s24, $0xb8;
	[tilespmem:$0x1E370] =	vst v63  }
0xd7: {  	_ = 	snop  }
0xd8: {  	[spmem:s4] =	stream.indirect.scatter.add.f32 [tilespmem:s29], [sflag:$0x5], $0x1, s6, s24, $0xb8;
	[tilespmem:$0x1E370] =	vst v63  }
0xd9: {  	_ =	swait.ge [sflag:s30], $0x2800  }
0xda: {  	[sflag:s30] =	ssyncset.done $0x0  }
0xdb: {  	[sflag:s30] =	ssyncadd.s32 $0xFFFFD800  }
0xdc: {  	_ =	swait.ge [sflag:s21], $0x50  }
0xdd: {  	[sflag:s21] =	ssyncset.done $0x0  }
0xde: {  	s10 =	stileid.u32;
	[sflag:s21] =	ssyncadd.s32 $0xFFFFFFB0  }
0xdf: {  	s7 =	sshll.u32 s10, $0x6;
	[bflag:$0x0] =	sbarrier.arrive $0xFFFF  }
0xe0: {  	s7 =	sor.u32 $0x1C06, s7;
	s9 =	rddreg [dreg:$0x8]  }
0xe1: {  	[hbm:s9], [sflag:s7] =	dma.local [spmem:s25], $0x2800  }
0xe2: {  	s5 =	sadd.s32 $0x1, s5;
	_ =	swait.ge [sflag:s20], $0x2800  }
0xe3: {  	p0 =	sne.s32 s5, s11;
	s9 =	sshrl.u32 s8, $0x3;
	[sflag:s20] =	ssyncset.done $0x0  }
.Ltmp2:
0xe4: {  	s10 =	rddreg [dreg:$0x9];
	[sflag:s20] =	ssyncadd.s32 $0xFFFFD800;
	(pc) =	sbr.rel @p0 .LBB2_1-.Ltmp2, $4  }
0xe5: {  	[hbm:s10], [sflag:s7] =	dma.local [spmem:s9], $0x50  }
0xe6: {  	_ =	swait.ge [sflag:s20], $0x50  }
0xe7: {  	[sflag:s20] =	ssyncset.done $0x0  }
0xe8: {  	[sflag:s20] =	ssyncadd.s32 $0xFFFFFFB0  }
0xe9: {  	_ =	sfence.sel $0x180000  }
0xea: {  	[bflag:$0x0] =	sbarrier.arrive $0xFFFF  }
0xeb: {  	_ =	strace $0x90000047  }
0xec: {  	s0 =	stileid.u32;
	[bflag:$0x2] =	sbarrier.arrive $0xFFFF  }
0xed: {  	p0 =	sne.s32 s0, $0x0;
	s0 =	rddreg [dreg:$0x5]  }
0xee: {  	s0 =	sadd.s32 @!p0 $0x100000, s0  }
0xef: {  	[sflag:s0] =	ssyncadd.tile.s32 @!p0 $0x1;
	_ =	shalt  }
.Lfunc_end2:
_tile_overlayer_lowered:
.L_overlay_start_2:
0xf0: {  	(tag) =	ssettag $0x2  }
0xf1: {  	s0 =	rddreg [dreg:$0x0];
	s2 =	stileid.u32  }
0xf2: {  	s1 =	rddreg [dreg:$0x1];
	p0 =	sne.s32 s2, $0x0  }
0xf3: {  	s3 =	rddreg [dreg:$0x2];
	[bflag:$0x3] =	sbarrier.arrive $0xFFFF;
	s2 =	simm.s32 @!p0 $0x1C06  }
0xf4: {  	[timem:s3], [sflag:s2] =	dma.local @!p0 [hbm:s0], s1  }
0xf5: {  	s0 =	simm.s32 @!p0 $0x6  }
0xf6: {  	_ =	swait.ge @!p0 [sflag:s0], s1  }
0xf7: {  	s1 =	ssub.s32 @!p0 $0x0, s1;
	[sflag:s0] =	ssyncset.done @!p0 $0x0  }
0xf8: {  	[sflag:s0] =	ssyncadd.s32 @!p0 s1  }
0xf9: {  	[bflag:$0x3] =	sbarrier.arrive $0xFFFF  }
0xfa: {  	_ =	shalt  }

// kernel: kernel.9.cloned.1.call-start
scs
__scs_entry_jumppad:
0x0: {  	(pc) =	sbr.rel $0x88, $3  }
0x1: {  	(tag) =	ssettag $0x0;
	lr =	simm.s32 $0x1  }
0x2: {  	[smem:$0x3F99] =	sst lr;
	_ =	strace $0xD0000000  }
0x3: {  	_ = 	snop  }
0x4: {  	_ = 	snop  }
0x5: {  	_ = 	snop  }
0x6: {  	_ = 	snop  }
0x7: {  	_ = 	snop  }
__scs_overlays_trampoline_lowered:
0x8: {  	[smem:$0x3FA8] =	sst s0  }
0x9: {  	[smem:$0x3FA9] =	sst s1  }
0xa: {  	[smem:$0x3FAA] =	sst s2  }
0xb: {  	[smem:$0x3FAB] =	sst s3  }
0xc: {  	[smem:$0x3FAC] =	sst s4  }
0xd: {  	[smem:$0x3FAD] =	sst s5  }
0xe: {  	[smem:$0x3FAE] =	sst s6  }
0xf: {  	[smem:$0x3FAF] =	sst s7  }
0x10: {  	[smem:$0x3FB0] =	sst s8  }
0x11: {  	[smem:$0x3FB1] =	sst s9;
	s0 =	simm.s32 @!p0 $0x0  }
0x12: {  	s1 =	sld [smem:$0x3F97];
	s0 =	simm.s32 @p0 $0x1  }
0x13: {  	[smem:$0x3FB2] =	sst s0;
	s0 =	simm.s32 @!p1 $0x0  }
0x14: {  	s2 =	sld [smem:$0x3F96];
	s0 =	simm.s32 @p1 $0x1  }
0x15: {  	[smem:$0x3FB3] =	sst s0;
	s0 =	simm.s32 @!p2 $0x0  }
0x16: {  	s3 =	sld [smem:$0x3FDB];
	s0 =	simm.s32 @p2 $0x1  }
0x17: {  	s4 =	simm.s32 $0x1BF5;
	[smem:$0x3FB5] =	sst s0  }
0x18: {  	s0 =	sld [smem:$0x3F98];
	_ =	swait.ge [sflag:s4], $0x0  }
0x19: {  	s7 =	sld [smem:$0x3F99]  }
0x1a: {  	s8 =	sadd.s32 $0xFFFFE003, lr  }
0x1b: {  	s9 =	sadd.s32 $0xFFFFFEF7, lr;
	s5 =	simm.s32 $0xFFFFFFFF;
	p2 =	slt.u32 s8, $0xFFFFF086  }
0x1c: {  	p1 =	slt.u32 s9, $0xF7A;
	s5 =	simm.s32 @!p2 $0x0  }
0x1d: {  	s5 =	simm.s32 @p1 $0x1;
	p0 =	seq.s32 s7, s2  }
0x1e: {  	s7 =	smul.u32 @!p0 $0xF7A, s2;
	p2 =	seq.s32 @!p0 s5, $0x0  }
0x1f: {  	s9 =	smul.u32 $0xF7A, s1;
	s8 =	simm.s32 @!p0 $0x1BF5;
	p2 =	por !p2, p0  }
0x20: {  	[sflag:s8] =	ssyncset.s32 @!p0 $0xFFFFF086;
	s6 =	sadd.s32 @!p0 s3, s7;
	s7 =	simm.s32 @!p0 $0x108  }
0x21: {  	s3 =	sadd.s32 s3, s9;
	s6 =	sadd.s32 @!p0 $0x88, s6;
	s7 =	simm.s32 @p2 $0x1082  }
0x22: {  	[simem:s7], [sflag:s8] =	dma.local @!p0 [hbm:s6], $0xF7A  }
0x23: {  	s9 =	sor.u32 $0xD0000000, s2;
	s6 =	simm.s32 $0x108;
	_ =	swait.ge @!p0 [sflag:s8], $0x0  }
0x24: {  	s3 =	sadd.s32 $0x88, s3;
	s6 =	simm.s32 @!p1 $0x1082;
	[sflag:s4] =	ssyncset.s32 $0xFFFFF086  }
0x25: {  	[simem:s6], [sflag:s4] =	dma.local [hbm:s3], $0xF7A  }
0x26: {  	[smem:$0x3F99] =	sst s1;
	(tag) =	ssettag s2;
	_ =	strace s9  }
0x27: {  	s1 =	sld [smem:$0x3FA9]  }
0x28: {  	s2 =	sld [smem:$0x3FAA]  }
0x29: {  	s4 =	sld [smem:$0x3FAC]  }
0x2a: {  	p0 =	seq.s32 s5, $0x0;
	s5 =	sld [smem:$0x3FAD]  }
0x2b: {  	s6 =	sld [smem:$0x3FAE]  }
0x2c: {  	s7 =	sld [smem:$0x3FAF]  }
0x2d: {  	s3 =	simm.s32 $0x108;
	s8 =	sld [smem:$0x3FB0]  }
0x2e: {  	s3 =	simm.s32 @!p0 $0x1082;
	s9 =	sld [smem:$0x3FB1]  }
0x2f: {  	lr =	sadd.s32 s0, s3;
	s0 =	sld [smem:$0x3FA8]  }
0x30: {  	s3 =	sld [smem:$0x3FAB]  }
0x31: {  	[smem:$0x3FB4] =	sst s10  }
0x32: {  	s10 =	sld [smem:$0x3FB2];
	_ =	sdelay $0x3  }
0x33: {  	p0 =	seq.s32 s10, $0x1;
	s10 =	sld [smem:$0x3FB4];
	_ =	sdelay $0x3  }
0x34: {  	[smem:$0x3FB4] =	sst s10  }
0x35: {  	s10 =	sld [smem:$0x3FB3];
	_ =	sdelay $0x3  }
0x36: {  	p1 =	seq.s32 s10, $0x1;
	s10 =	sld [smem:$0x3FB4];
	_ =	sdelay $0x3  }
0x37: {  	[smem:$0x3FB4] =	sst s10  }
0x38: {  	s10 =	sld [smem:$0x3FB5]  }
0x39: {  	_ = 	snop;
	(pc) =	sbr.ind lr, $3  }
0x3a: {  	_ = 	snop  }
0x3b: {  	_ = 	snop  }
0x3c: {  	p2 =	seq.s32 s10, $0x1;
	s10 =	sld [smem:$0x3FB4]  }
0x3d: {  	_ =	shalt  }
0x3e: {  	_ =	shalt  }
0x3f: {  	_ =	shalt  }
0x40: {  	_ =	shalt  }
0x41: {  	_ =	shalt  }
0x42: {  	_ =	shalt  }
0x43: {  	_ =	shalt  }
0x44: {  	_ =	shalt  }
0x45: {  	_ =	shalt  }
0x46: {  	_ =	shalt  }
0x47: {  	_ =	shalt  }
0x48: {  	_ =	shalt  }
0x49: {  	_ =	shalt  }
0x4a: {  	_ =	shalt  }
0x4b: {  	_ =	shalt  }
0x4c: {  	_ =	shalt  }
0x4d: {  	_ =	shalt  }
0x4e: {  	_ =	shalt  }
0x4f: {  	_ =	shalt  }
0x50: {  	_ =	shalt  }
0x51: {  	_ =	shalt  }
0x52: {  	_ =	shalt  }
0x53: {  	_ =	shalt  }
0x54: {  	_ =	shalt  }
0x55: {  	_ =	shalt  }
0x56: {  	_ =	shalt  }
0x57: {  	_ =	shalt  }
0x58: {  	_ =	shalt  }
0x59: {  	_ =	shalt  }
0x5a: {  	_ =	shalt  }
0x5b: {  	_ =	shalt  }
0x5c: {  	_ =	shalt  }
0x5d: {  	_ =	shalt  }
0x5e: {  	_ =	shalt  }
0x5f: {  	_ =	shalt  }
0x60: {  	_ =	shalt  }
0x61: {  	_ =	shalt  }
0x62: {  	_ =	shalt  }
0x63: {  	_ =	shalt  }
0x64: {  	_ =	shalt  }
0x65: {  	_ =	shalt  }
0x66: {  	_ =	shalt  }
0x67: {  	_ =	shalt  }
0x68: {  	_ =	shalt  }
0x69: {  	_ =	shalt  }
0x6a: {  	_ =	shalt  }
0x6b: {  	_ =	shalt  }
0x6c: {  	_ =	shalt  }
0x6d: {  	_ =	shalt  }
0x6e: {  	_ =	shalt  }
0x6f: {  	_ =	shalt  }
0x70: {  	_ =	shalt  }
0x71: {  	_ =	shalt  }
0x72: {  	_ =	shalt  }
0x73: {  	_ =	shalt  }
0x74: {  	_ =	shalt  }
0x75: {  	_ =	shalt  }
0x76: {  	_ =	shalt  }
0x77: {  	_ =	shalt  }
0x78: {  	_ =	shalt  }
0x79: {  	_ =	shalt  }
0x7a: {  	_ =	shalt  }
0x7b: {  	_ =	shalt  }
0x7c: {  	_ =	shalt  }
0x7d: {  	_ =	shalt  }
0x7e: {  	_ =	shalt  }
0x7f: {  	_ =	shalt  }
0x80: {  	_ =	shalt  }
0x81: {  	_ =	shalt  }
0x82: {  	_ =	shalt  }
0x83: {  	_ =	shalt  }
0x84: {  	_ =	shalt  }
0x85: {  	_ =	shalt  }
0x86: {  	_ =	shalt  }
0x87: {  	_ =	shalt  }
.Lfunc_end0:
.L_simem_size_0:
called_computation.1_lowered:
.L_overlay_start_0:
0x88: {  	s2 =	sld [smem:$0x3FD9]  }
0x89: {  	s3 =	sld [smem:$0x3FFE];
	_ =	sdelay $0x1  }
0x8a: {  	s1 =	srdreg.scid  }
0x8b: {  	s0 =	sand.u32 $0x1, s1  }
0x8c: {  	s17 =	sshll.u32 s0, $0xA;
	s2 =	sadd.s32 s3, s2  }
0x8d: {  	s2 =	sadd.s32 s2, s17  }
0x8e: {  	[smem:$0x3FC0] =	sst s2  }
0x8f: {  	_ = 	snop  }
0x90: {  	s2 =	sld [smem:$0x3FD0];
	(tm) =	ssettm $0x1  }
0x91: {  	s18 =	sld [smem:$0x3FFB];
	_ =	sdelay $0x3  }
0x92: {  	_ =	strace s18  }
0x93: {  	s3 =	sld [smem:$0x3FFC];
	_ =	sdelay $0x3  }
0x94: {  	_ =	strace s3  }
0x95: {  	s3 =	sld [smem:$0x3FFD];
	_ =	sdelay $0x3  }
0x96: {  	_ =	strace s3  }
0x97: {  	_ =	strace $0x8FFFFFFF  }
0x98: {  	s19 =	sld [smem:$0x3FDB];
	_ =	sdelay $0x1  }
0x99: {  	s4 =	simm.s32 $_scs_section_size  }
0x9a: {  	s5 =	simm.s32 $_size__tile_overlayer_lowered;
	s6 =	simm.s32 $_tile_overlayer_lowered  }
0x9b: {  	s22 =	simm.s32 $0x1BFF;
	s21 =	sshll.u32 s6, $0x1;
	s3 =	sadd.s32 s4, s19  }
0x9c: {  	s7 =	simm.s32 $0x0;
	s20 =	sshll.u32 s5, $0x1;
	s5 =	sadd.s32 s21, s3  }
0x9d: {  	[timem:s7], [sflag:s22] =	dma.local [hbm:s5], s20  }
0x9e: {  	_ =	swait.ge [sflag:s22], s20  }
0x9f: {  	s4 =	ssub.s32 $0x0, s20;
	[sflag:s22] =	ssyncset.done $0x0  }
0xa0: {  	[sflag:s22] =	ssyncadd.s32 s4;
	_ =	sdelay $0x1  }
0xa1: {  	s23 =	simm.s32 $0x1B8B  }
0xa2: {  	_ =	swait.ge [sflag:s23], $0x1  }
0xa3: {  	[sflag:s23] =	ssyncset.done $0x0  }
0xa4: {  	s25 =	simm.s32 $0x1B8E;
	s24 =	sld [smem:$0x3FFE];
	[sflag:s23] =	ssyncadd.s32 $0xFFFFFFFF  }
0xa5: {  	s26 =	simm.s32 $execute0_lowered;
	[smem:$0x3FD2] =	sst s25  }
0xa6: {  	s5 =	sshll.u32 s26, $0x1;
	_ =	strace $0x80000049;
	[dreg:$0x1] =	wrdreg $0xFFFFFFFF  }
0xa7: {  	s28 =	simm.s32 $_size_execute0_lowered;
	s3 =	sadd.s32 s3, s5;
	[dreg:$0x0] =	wrdreg $0x0  }
0xa8: {  	s5 =	sshll.u32 s28, $0x1;
	[dreg:$0x2] =	wrdreg s3  }
0xa9: {  	[dreg:$0x3] =	wrdreg s5  }
0xaa: {  	[dreg:$0x4] =	wrdreg $0xC0  }
0xab: {  	_ =	task [dreg:s7], $0x5FFFF  }
0xac: {  	[dreg:$0x1] =	wrdreg $0xFFFFFFFF  }
0xad: {  	[dreg:$0x0] =	wrdreg $0x60  }
0xae: {  	[dreg:$0x2] =	wrdreg s24  }
0xaf: {  	[dreg:$0x3] =	wrdreg s2  }
0xb0: {  	[dreg:$0x4] =	wrdreg $0x4E200  }
0xb1: {  	[dreg:$0x5] =	wrdreg $0x9  }
0xb2: {  	_ =	task.clear_ibuf [dreg:s7], $0x6FFFF;
	_ =	strace $0x90000049  }
0xb3: {  	s29 =	simm.s32 $0x9;
	_ =	strace $0x8000004B  }
0xb4: {  	_ =	swait.ge [sflag:s29], $0x1  }
0xb5: {  	[sflag:s29] =	ssyncadd.s32 $0xFFFFFFFF  }
0xb6: {  	_ =	strace $0x9000004B  }
0xb7: {  	_ =	sfence  }
0xb8: {  	s30 =	sld [smem:$0x0];
	_ =	sdelay $0x2  }
0xb9: {  	s31 =	sshll.u32 s1, $0xD;
	s1 =	sshrl.u32 s1, $0x2  }
0xba: {  	s3 =	sand.u32 $0x4000, s31;
	s1 =	sadd.s32 s1, s30  }
0xbb: {  	s0 =	sor.u32 s3, s0;
	s1 =	sshll.u32 s1, $0x11  }
0xbc: {  	s0 =	sor.u32 s1, s0  }
0xbd: {  	s0 =	sadd.s32 $0x8F2B, s0  }
0xbe: {  	[sflag:s0] =	ssyncadd.remote.s32 $0x1  }
0xbf: {  	_ =	sfence.sel $0xFFFF  }
0xc0: {  	[dreg:$0x0] =	wrdreg $0xFFFFFFFF;
	(pc) =	sbr.abs _section_cstart, $3  }
0xc1: {  	[dreg:$0x1] =	wrdreg $0xFFFFFFFF  }
0xc2: {  	_ =	task.clear_ibuf [dreg:s7], $0x2FFFF;
	_ =	strace $0x9FFFFFFF  }
0xc3: {  	(tm) =	ssettm $0x7FFFFFFF  }
tec
execute0_lowered:
.L_overlay_start_1:
0x0: {  	(tag) =	ssettag $0x1  }
0x1: {  	s1 =	rddreg [dreg:$0x0]  }
0x2: {  	s0 =	srdreg.scid;
	s5 =	rddreg [dreg:$0x1]  }
0x3: {  	s10 =	stileid.u32;
	s2 =	rddreg [dreg:$0x2]  }
0x4: {  	s17 =	simm.s32 $0xB;
	s19 =	simm.s32 $0x9E20;
	s20 =	simm.s32 $0x50  }
0x5: {  	s29 =	simm.s32 $0xC620;
	s30 =	simm.s32 $0x1;
	s31 =	simm.s32 $0x2  }
0x6: {  	s18 =	simm.s32 $0x4;
	s0 =	sand.u32 $0x1, s0;
	s9 =	smul.u32 $0x5000, s10  }
0x7: {  	s28 =	simm.s32 $0x8;
	s3 =	sshll.u32 s0, $0x4;
	s7 =	smul.u32 $0x50000, s0  }
0x8: {  	s0 =	ssub.s32 $0x2, s0;
	s4 =	sor.u32 s10, s3;
	s3 =	simm.s32 $0x0  }
0x9: {  	s8 =	sshrl.u32 s0, $0x1;
	s10 =	smul.u32 $0x14000, s10;
	s25 =	sadd.s32 s9, s2  }
0xa: {  	s6 =	smul.u32 $0x4E2, s4;
	[smem:$0x7FF] =	sst s3;
	s4 =	sadd.s32 $0x15800, s1  }
0xb: {  	s0 =	ssub.s32 s0, s8;
	s21 =	sadd.s32 s9, s7;
	s25 =	sshrl.u32 s25, $0x3  }
0xc: {  	_ =	strace $0x8000004A;
	s23 =	sshrl.u32 s10, $0x2;
	s0 =	smax.u32 s0, $0x1  }
0xd: {  	s1 =	sadd.s32 s6, s1;
	s6 =	sshrl.u32 s21, $0x3;
	s8 =	sadd.s32 s23, s2  }
0xe: {  	[dreg:$0x7] =	wrdreg s0;
	s21 =	simm.s32 $0xA820;
	s23 =	simm.s32 $0xB220  }
0xf: {  	s0 =	simm.s32 $0x5;
	s22 =	sadd.s32 $0xBA00, s1;
	s1 =	sadd.s32 $0x1C00, s1  }
0x10: {  	s24 =	sadd.s32 s5, s6;
	s26 =	sadd.s32 $0xA00, s8;
	s11 =	sadd.s32 $0x1400, s8  }
0x11: {  	s12 =	sadd.s32 $0x1E00, s8;
	s13 =	sadd.s32 $0x2800, s8;
	[dreg:$0x4] =	wrdreg s22  }
0x12: {  	s14 =	sadd.s32 $0x3200, s8;
	s15 =	sadd.s32 $0x3C00, s8;
	[dreg:$0x5] =	wrdreg s1  }
0x13: {  	s16 =	sadd.s32 $0x4600, s8;
	s5 =	simm.s32 $0x9;
	[dreg:$0x6] =	wrdreg s24  }
0x14: {  	s6 =	simm.s32 $0xA;
	[dreg:$0x8] =	wrdreg s26;
	s26 =	simm.s32 $0xBC20  }
0x15: {  	v0 =	vimm.f32 $0.0e+00;
	s1 =	simm.s32 $0x3;
	s22 =	simm.s32 $0x6;
	s24 =	simm.s32 $0x7  }
.LBB2_1:
0x16: {  	s7 =	simm.s32 $0x80;
	s9 =	simm.s32 $0x0  }
.LBB2_2:
0x17: {  	p0 =	sne.s32 s7, $0x2780;
	[tilespmem:s9+$0x9E20] =	vst v0;
	s10 =	smov.u32 s7;
	s7 =	sadd.s32 $0x80, s7  }
.Ltmp0:
0x18: {  	[tilespmem:s9+$0x9E30] =	vst v0;
	(pc) =	sbr.rel @p0 .LBB2_2-.Ltmp0, $2  }
0x19: {  	_ =	sdelay $0x2  }
0x1a: {  	s9 =	sshra.s32 s10, $0x2  }
0x1b: {  	[tilespmem:s9+$0x9E20] =	vst v0  }
0x1c: {  	[tilespmem:s9+$0x9E30] =	vst v0;
	s7 =	simm.s32 $0x0;
	s10 =	rddreg [dreg:$0x4]  }
0x1d: {  	[tilespmem:s7], [sflag:$0xB] =	stream.linear.gather [hbm4b:s10+s7], $0x2710, $0x38;
	[tilespmem:$0xD020] =	vst v63  }
0x1e: {  	_ =	swait.ge [sflag:s17], $0x2710  }
0x1f: {  	[sflag:s17] =	ssyncset.done $0x0  }
0x20: {  	s10 =	simm.s32 $0x2710;
	s9 =	rddreg [dreg:$0x5];
	[sflag:s17] =	ssyncadd.s32 $0xFFFFD8F0  }
0x21: {  	[tilespmem:s10], [sflag:$0xB] =	stream.linear.gather [hbm4b:s9+s7], $0x2710, $0x38;
	[tilespmem:$0xD020] =	vst v63  }
0x22: {  	_ =	swait.ge [sflag:s17], $0x2710  }
0x23: {  	[sflag:s17] =	ssyncset.done $0x0  }
0x24: {  	[sflag:s17] =	ssyncadd.s32 $0xFFFFD8F0  }
0x25: {  	[spmem:s8] =	stream.linear.scatter [tilespmem:s19], [sflag:$0xB], $0xA00, $0x38;
	[tilespmem:$0xD020] =	vst v63  }
0x26: {  	_ =	swait.ge [sflag:s17], $0xA00  }
0x27: {  	[sflag:s17] =	ssyncset.done $0x0  }
0x28: {  	s10 =	rddreg [dreg:$0x8];
	[sflag:s17] =	ssyncadd.s32 $0xFFFFF600  }
0x29: {  	[spmem:s10] =	stream.linear.scatter [tilespmem:s19], [sflag:$0xB], $0xA00, $0x38;
	[tilespmem:$0xD020] =	vst v63  }
0x2a: {  	_ =	swait.ge [sflag:s17], $0xA00  }
0x2b: {  	[sflag:s17] =	ssyncset.done $0x0  }
0x2c: {  	[sflag:s17] =	ssyncadd.s32 $0xFFFFF600  }
0x2d: {  	[spmem:s11] =	stream.linear.scatter [tilespmem:s19], [sflag:$0xB], $0xA00, $0x38;
	[tilespmem:$0xD020] =	vst v63  }
0x2e: {  	_ =	swait.ge [sflag:s17], $0xA00  }
0x2f: {  	[sflag:s17] =	ssyncset.done $0x0  }
0x30: {  	[sflag:s17] =	ssyncadd.s32 $0xFFFFF600  }
0x31: {  	[spmem:s12] =	stream.linear.scatter [tilespmem:s19], [sflag:$0xB], $0xA00, $0x38;
	[tilespmem:$0xD020] =	vst v63  }
0x32: {  	_ =	swait.ge [sflag:s17], $0xA00  }
0x33: {  	[sflag:s17] =	ssyncset.done $0x0  }
0x34: {  	[sflag:s17] =	ssyncadd.s32 $0xFFFFF600  }
0x35: {  	[spmem:s13] =	stream.linear.scatter [tilespmem:s19], [sflag:$0xB], $0xA00, $0x38;
	[tilespmem:$0xD020] =	vst v63  }
0x36: {  	_ =	swait.ge [sflag:s17], $0xA00  }
0x37: {  	[sflag:s17] =	ssyncset.done $0x0  }
0x38: {  	[sflag:s17] =	ssyncadd.s32 $0xFFFFF600  }
0x39: {  	[spmem:s14] =	stream.linear.scatter [tilespmem:s19], [sflag:$0xB], $0xA00, $0x38;
	[tilespmem:$0xD020] =	vst v63  }
0x3a: {  	_ =	swait.ge [sflag:s17], $0xA00  }
0x3b: {  	[sflag:s17] =	ssyncset.done $0x0  }
0x3c: {  	[sflag:s17] =	ssyncadd.s32 $0xFFFFF600  }
0x3d: {  	[spmem:s15] =	stream.linear.scatter [tilespmem:s19], [sflag:$0xB], $0xA00, $0x38;
	[tilespmem:$0xD020] =	vst v63  }
0x3e: {  	_ =	swait.ge [sflag:s17], $0xA00  }
0x3f: {  	[sflag:s17] =	ssyncset.done $0x0  }
0x40: {  	[sflag:s17] =	ssyncadd.s32 $0xFFFFF600  }
0x41: {  	[spmem:s16] =	stream.linear.scatter [tilespmem:s19], [sflag:$0xB], $0xA00, $0x38;
	[tilespmem:$0xD020] =	vst v63  }
0x42: {  	_ =	swait.ge [sflag:s17], $0xA00  }
0x43: {  	[sflag:s17] =	ssyncset.done $0x0  }
0x44: {  	[sflag:s17] =	ssyncadd.s32 $0xFFFFF600  }
0x45: {  	[bflag:$0x0] =	sbarrier.arrive $0xFFFF  }
0x46: {  	[tilespmem:s19], [sflag:$0x1] =	stream.indirect.gather [hbm4b:s4+s20], $0x20, s7, s20, $0xb8;
	[tilespmem:$0xD020] =	vst v63  }
0x47: {  	_ = 	snop  }
0x48: {  	[tilespmem:s21], [sflag:$0x2] =	stream.indirect.gather [hbm4b:s4+s20], $0x20, s20, s20, $0xb8;
	[tilespmem:$0xD020] =	vst v63  }
0x49: {  	s9 =	simm.s32 $0xA0  }
0x4a: {  	[tilespmem:s23], [sflag:$0x3] =	stream.indirect.gather [hbm4b:s4+s20], $0x20, s9, s20, $0xb8;
	[tilespmem:$0xD020] =	vst v63  }
0x4b: {  	s10 =	simm.s32 $0xF0  }
0x4c: {  	[tilespmem:s26], [sflag:$0x4] =	stream.indirect.gather [hbm4b:s4+s20], $0x20, s10, s20, $0xb8;
	[tilespmem:$0xD020] =	vst v63  }
0x4d: {  	s9 =	simm.s32 $0x140  }
0x4e: {  	[tilespmem:s29], [sflag:$0x5] =	stream.indirect.gather [hbm4b:s4+s20], $0x20, s9, s20, $0xb8;
	[tilespmem:$0xD020] =	vst v63  }
0x4f: {  	_ =	swait.ge [sflag:s30], $0xA00  }
0x50: {  	[sflag:s30] =	ssyncset.done $0x0  }
0x51: {  	s10 =	simm.s32 $0x2710;
	[sflag:s30] =	ssyncadd.s32 $0xFFFFF600  }
0x52: {  	[spmem:s2] =	stream.indirect.scatter.add.f32 [tilespmem:s19], [sflag:$0x6], $0x20, s10, s20, $0xb8;
	[tilespmem:$0xD020] =	vst v63  }
0x53: {  	_ =	swait.ge [sflag:s31], $0xA00  }
0x54: {  	[sflag:s31] =	ssyncset.done $0x0  }
0x55: {  	s9 =	simm.s32 $0x2760;
	[sflag:s31] =	ssyncadd.s32 $0xFFFFF600  }
0x56: {  	[spmem:s2] =	stream.indirect.scatter.add.f32 [tilespmem:s21], [sflag:$0x7], $0x20, s9, s20, $0xb8;
	[tilespmem:$0xD020] =	vst v63  }
0x57: {  	_ =	swait.ge [sflag:s1], $0xA00  }
0x58: {  	[sflag:s1] =	ssyncset.done $0x0  }
0x59: {  	s10 =	simm.s32 $0x27B0;
	[sflag:s1] =	ssyncadd.s32 $0xFFFFF600  }
0x5a: {  	[spmem:s2] =	stream.indirect.scatter.add.f32 [tilespmem:s23], [sflag:$0x8], $0x20, s10, s20, $0xb8;
	[tilespmem:$0xD020] =	vst v63  }
0x5b: {  	_ =	swait.ge [sflag:s18], $0xA00  }
0x5c: {  	[sflag:s18] =	ssyncset.done $0x0  }
0x5d: {  	s9 =	simm.s32 $0x2800;
	[sflag:s18] =	ssyncadd.s32 $0xFFFFF600  }
0x5e: {  	[spmem:s2] =	stream.indirect.scatter.add.f32 [tilespmem:s26], [sflag:$0x9], $0x20, s9, s20, $0xb8;
	[tilespmem:$0xD020] =	vst v63  }
0x5f: {  	_ =	swait.ge [sflag:s0], $0xA00  }
0x60: {  	[sflag:s0] =	ssyncset.done $0x0  }
0x61: {  	s10 =	simm.s32 $0x2850;
	[sflag:s0] =	ssyncadd.s32 $0xFFFFF600  }
0x62: {  	[spmem:s2] =	stream.indirect.scatter.add.f32 [tilespmem:s29], [sflag:$0xA], $0x20, s10, s20, $0xb8;
	[tilespmem:$0xD020] =	vst v63  }
0x63: {  	_ =	swait.ge [sflag:s22], $0xA00  }
0x64: {  	[sflag:s22] =	ssyncset.done $0x0  }
0x65: {  	s9 =	simm.s32 $0x190;
	[sflag:s22] =	ssyncadd.s32 $0xFFFFF600  }
0x66: {  	[tilespmem:s19], [sflag:$0x1] =	stream.indirect.gather [hbm4b:s4+s20], $0x20, s9, s20, $0xb8;
	[tilespmem:$0xD020] =	vst v63  }
0x67: {  	_ =	swait.ge [sflag:s24], $0xA00  }
0x68: {  	[sflag:s24] =	ssyncset.done $0x0  }
0x69: {  	s10 =	simm.s32 $0x1E0;
	[sflag:s24] =	ssyncadd.s32 $0xFFFFF600  }
0x6a: {  	[tilespmem:s21], [sflag:$0x2] =	stream.indirect.gather [hbm4b:s4+s20], $0x20, s10, s20, $0xb8;
	[tilespmem:$0xD020] =	vst v63  }
0x6b: {  	_ =	swait.ge [sflag:s28], $0xA00  }
0x6c: {  	[sflag:s28] =	ssyncset.done $0x0  }
0x6d: {  	s9 =	simm.s32 $0x230;
	[sflag:s28] =	ssyncadd.s32 $0xFFFFF600  }
0x6e: {  	[tilespmem:s23], [sflag:$0x3] =	stream.indirect.gather [hbm4b:s4+s20], $0x20, s9, s20, $0xb8;
	[tilespmem:$0xD020] =	vst v63  }
0x6f: {  	_ =	swait.ge [sflag:s5], $0xA00  }
0x70: {  	[sflag:s5] =	ssyncset.done $0x0  }
0x71: {  	s10 =	simm.s32 $0x280;
	[sflag:s5] =	ssyncadd.s32 $0xFFFFF600  }
0x72: {  	[tilespmem:s26], [sflag:$0x4] =	stream.indirect.gather [hbm4b:s4+s20], $0x20, s10, s20, $0xb8;
	[tilespmem:$0xD020] =	vst v63  }
0x73: {  	_ =	swait.ge [sflag:s6], $0xA00  }
0x74: {  	[sflag:s6] =	ssyncset.done $0x0  }
0x75: {  	s7 =	simm.s32 $0x640;
	s9 =	simm.s32 $0x2D0;
	[sflag:s6] =	ssyncadd.s32 $0xFFFFF600  }
.LBB2_4:
0x76: {  	[tilespmem:s29], [sflag:$0x5] =	stream.indirect.gather [hbm4b:s4+s20], $0x20, s9, s20, $0xb8;
	[tilespmem:$0xD020] =	vst v63  }
0x77: {  	s9 =	smov.u32 s7  }
0x78: {  	p0 =	sne.s32 s7, $0x8FC0;
	s7 =	sadd.s32 $0x640, s7;
	_ =	swait.ge [sflag:s30], $0xA00  }
0x79: {  	s9 =	sshra.s32 s9, $0x2;
	[sflag:s30] =	ssyncset.done $0x0  }
0x7a: {  	s10 =	sadd.s32 $0x2710, s9;
	[sflag:s30] =	ssyncadd.s32 $0xFFFFF600  }
0x7b: {  	[spmem:s2] =	stream.indirect.scatter.add.f32 [tilespmem:s19], [sflag:$0x6], $0x20, s10, s20, $0xb8;
	[tilespmem:$0xD020] =	vst v63  }
0x7c: {  	_ =	swait.ge [sflag:s31], $0xA00  }
0x7d: {  	[sflag:s31] =	ssyncset.done $0x0  }
0x7e: {  	s10 =	sadd.s32 $0x2760, s9;
	[sflag:s31] =	ssyncadd.s32 $0xFFFFF600  }
0x7f: {  	[spmem:s2] =	stream.indirect.scatter.add.f32 [tilespmem:s21], [sflag:$0x7], $0x20, s10, s20, $0xb8;
	[tilespmem:$0xD020] =	vst v63  }
0x80: {  	_ =	swait.ge [sflag:s1], $0xA00  }
0x81: {  	[sflag:s1] =	ssyncset.done $0x0  }
0x82: {  	s10 =	sadd.s32 $0x27B0, s9;
	[sflag:s1] =	ssyncadd.s32 $0xFFFFF600  }
0x83: {  	[spmem:s2] =	stream.indirect.scatter.add.f32 [tilespmem:s23], [sflag:$0x8], $0x20, s10, s20, $0xb8;
	[tilespmem:$0xD020] =	vst v63  }
0x84: {  	_ =	swait.ge [sflag:s18], $0xA00  }
0x85: {  	[sflag:s18] =	ssyncset.done $0x0  }
0x86: {  	s10 =	sadd.s32 $0x2800, s9;
	[sflag:s18] =	ssyncadd.s32 $0xFFFFF600  }
0x87: {  	[spmem:s2] =	stream.indirect.scatter.add.f32 [tilespmem:s26], [sflag:$0x9], $0x20, s10, s20, $0xb8;
	[tilespmem:$0xD020] =	vst v63  }
0x88: {  	_ =	swait.ge [sflag:s0], $0xA00  }
0x89: {  	[sflag:s0] =	ssyncset.done $0x0  }
0x8a: {  	s10 =	sadd.s32 $0x2850, s9;
	[sflag:s0] =	ssyncadd.s32 $0xFFFFF600  }
0x8b: {  	[spmem:s2] =	stream.indirect.scatter.add.f32 [tilespmem:s29], [sflag:$0xA], $0x20, s10, s20, $0xb8;
	[tilespmem:$0xD020] =	vst v63  }
0x8c: {  	_ =	swait.ge [sflag:s22], $0xA00  }
0x8d: {  	[sflag:s22] =	ssyncset.done $0x0  }
0x8e: {  	s10 =	sadd.s32 $0x190, s9;
	[sflag:s22] =	ssyncadd.s32 $0xFFFFF600  }
0x8f: {  	[tilespmem:s19], [sflag:$0x1] =	stream.indirect.gather [hbm4b:s4+s20], $0x20, s10, s20, $0xb8;
	[tilespmem:$0xD020] =	vst v63  }
0x90: {  	_ =	swait.ge [sflag:s24], $0xA00  }
0x91: {  	[sflag:s24] =	ssyncset.done $0x0  }
0x92: {  	s10 =	sadd.s32 $0x1E0, s9;
	[sflag:s24] =	ssyncadd.s32 $0xFFFFF600  }
0x93: {  	[tilespmem:s21], [sflag:$0x2] =	stream.indirect.gather [hbm4b:s4+s20], $0x20, s10, s20, $0xb8;
	[tilespmem:$0xD020] =	vst v63  }
0x94: {  	_ =	swait.ge [sflag:s28], $0xA00  }
0x95: {  	[sflag:s28] =	ssyncset.done $0x0  }
0x96: {  	s10 =	sadd.s32 $0x230, s9;
	[sflag:s28] =	ssyncadd.s32 $0xFFFFF600  }
0x97: {  	[tilespmem:s23], [sflag:$0x3] =	stream.indirect.gather [hbm4b:s4+s20], $0x20, s10, s20, $0xb8;
	[tilespmem:$0xD020] =	vst v63  }
0x98: {  	_ =	swait.ge [sflag:s5], $0xA00  }
0x99: {  	[sflag:s5] =	ssyncset.done $0x0  }
.Ltmp1:
0x9a: {  	s10 =	sadd.s32 $0x280, s9;
	[sflag:s5] =	ssyncadd.s32 $0xFFFFF600;
	(pc) =	sbr.rel @p0 .LBB2_4-.Ltmp1, $4  }
0x9b: {  	[tilespmem:s26], [sflag:$0x4] =	stream.indirect.gather [hbm4b:s4+s20], $0x20, s10, s20, $0xb8;
	[tilespmem:$0xD020] =	vst v63  }
0x9c: {  	_ =	swait.ge [sflag:s6], $0xA00  }
0x9d: {  	[sflag:s6] =	ssyncset.done $0x0  }
0x9e: {  	s9 =	sadd.s32 $0x2D0, s9;
	[sflag:s6] =	ssyncadd.s32 $0xFFFFF600  }
0x9f: {  	[tilespmem:s29], [sflag:$0x5] =	stream.indirect.gather [hbm4b:s4+s20], $0x20, s9, s20, $0xb8;
	[tilespmem:$0xD020] =	vst v63  }
0xa0: {  	_ =	swait.ge [sflag:s30], $0xA00  }
0xa1: {  	[sflag:s30] =	ssyncset.done $0x0  }
0xa2: {  	s7 =	simm.s32 $0x4C90;
	[sflag:s30] =	ssyncadd.s32 $0xFFFFF600  }
0xa3: {  	[spmem:s2] =	stream.indirect.scatter.add.f32 [tilespmem:s19], [sflag:$0x6], $0x20, s7, s20, $0xb8;
	[tilespmem:$0xD020] =	vst v63  }
0xa4: {  	_ =	swait.ge [sflag:s31], $0xA00  }
0xa5: {  	[sflag:s31] =	ssyncset.done $0x0  }
0xa6: {  	s9 =	simm.s32 $0x4CE0;
	[sflag:s31] =	ssyncadd.s32 $0xFFFFF600  }
0xa7: {  	[spmem:s2] =	stream.indirect.scatter.add.f32 [tilespmem:s21], [sflag:$0x7], $0x20, s9, s20, $0xb8;
	[tilespmem:$0xD020] =	vst v63  }
0xa8: {  	_ =	swait.ge [sflag:s1], $0xA00  }
0xa9: {  	[sflag:s1] =	ssyncset.done $0x0  }
0xaa: {  	s10 =	simm.s32 $0x4D30;
	[sflag:s1] =	ssyncadd.s32 $0xFFFFF600  }
0xab: {  	[spmem:s2] =	stream.indirect.scatter.add.f32 [tilespmem:s23], [sflag:$0x8], $0x20, s10, s20, $0xb8;
	[tilespmem:$0xD020] =	vst v63  }
0xac: {  	_ =	swait.ge [sflag:s18], $0xA00  }
0xad: {  	[sflag:s18] =	ssyncset.done $0x0  }
0xae: {  	s9 =	simm.s32 $0x4D80;
	[sflag:s18] =	ssyncadd.s32 $0xFFFFF600  }
0xaf: {  	[spmem:s2] =	stream.indirect.scatter.add.f32 [tilespmem:s26], [sflag:$0x9], $0x20, s9, s20, $0xb8;
	[tilespmem:$0xD020] =	vst v63  }
0xb0: {  	_ =	swait.ge [sflag:s0], $0xA00  }
0xb1: {  	[sflag:s0] =	ssyncset.done $0x0  }
0xb2: {  	s10 =	simm.s32 $0x4DD0;
	[sflag:s0] =	ssyncadd.s32 $0xFFFFF600  }
0xb3: {  	[spmem:s2] =	stream.indirect.scatter.add.f32 [tilespmem:s29], [sflag:$0xA], $0x20, s10, s20, $0xb8;
	[tilespmem:$0xD020] =	vst v63  }
0xb4: {  	_ =	swait.ge [sflag:s22], $0xA00  }
0xb5: {  	[sflag:s22] =	ssyncset.done $0x0  }
0xb6: {  	[sflag:s22] =	ssyncadd.s32 $0xFFFFF600  }
0xb7: {  	_ =	swait.ge [sflag:s24], $0xA00  }
0xb8: {  	[sflag:s24] =	ssyncset.done $0x0  }
0xb9: {  	[sflag:s24] =	ssyncadd.s32 $0xFFFFF600  }
0xba: {  	_ =	swait.ge [sflag:s28], $0xA00  }
0xbb: {  	[sflag:s28] =	ssyncset.done $0x0  }
0xbc: {  	[sflag:s28] =	ssyncadd.s32 $0xFFFFF600  }
0xbd: {  	_ =	swait.ge [sflag:s5], $0xA00  }
0xbe: {  	[sflag:s5] =	ssyncset.done $0x0  }
0xbf: {  	[sflag:s5] =	ssyncadd.s32 $0xFFFFF600  }
0xc0: {  	_ =	swait.ge [sflag:s6], $0xA00  }
0xc1: {  	[sflag:s6] =	ssyncset.done $0x0  }
0xc2: {  	s9 =	stileid.u32;
	[sflag:s6] =	ssyncadd.s32 $0xFFFFF600  }
0xc3: {  	s7 =	sshll.u32 s9, $0x6;
	[bflag:$0x0] =	sbarrier.arrive $0xFFFF  }
0xc4: {  	s7 =	sor.u32 $0x1C0B, s7;
	s10 =	rddreg [dreg:$0x6]  }
0xc5: {  	[hbm:s10], [sflag:s7] =	dma.local [spmem:s25], $0xA00  }
0xc6: {  	_ =	swait.ge [sflag:s17], $0xA00  }
0xc7: {  	s3 =	sadd.s32 $0x1, s3;
	s10 =	rddreg [dreg:$0x7]  }
0xc8: {  	p0 =	sne.s32 s3, s10  }
.Ltmp2:
0xc9: {  	_ = 	snop;
	(pc) =	sbr.rel @p0 .LBB2_1-.Ltmp2, $3  }
0xca: {  	_ =	sdelay $0x1  }
0xcb: {  	[sflag:s17] =	ssyncset.done $0x0  }
0xcc: {  	[sflag:s17] =	ssyncadd.s32 $0xFFFFF600  }
0xcd: {  	_ =	sfence.sel $0x180000  }
0xce: {  	[bflag:$0x0] =	sbarrier.arrive $0xFFFF  }
0xcf: {  	_ =	strace $0x9000004A  }
0xd0: {  	s0 =	stileid.u32;
	[bflag:$0x2] =	sbarrier.arrive $0xFFFF  }
0xd1: {  	p0 =	sne.s32 s0, $0x0;
	s0 =	rddreg [dreg:$0x3]  }
0xd2: {  	s0 =	sadd.s32 @!p0 $0x100000, s0  }
0xd3: {  	[sflag:s0] =	ssyncadd.tile.s32 @!p0 $0x1;
	_ =	shalt  }
.Lfunc_end2:
_tile_overlayer_lowered:
.L_overlay_start_2:
0xd4: {  	(tag) =	ssettag $0x2  }
0xd5: {  	s0 =	rddreg [dreg:$0x0];
	s2 =	stileid.u32  }
0xd6: {  	s1 =	rddreg [dreg:$0x1];
	p0 =	sne.s32 s2, $0x0  }
0xd7: {  	s3 =	rddreg [dreg:$0x2];
	[bflag:$0x3] =	sbarrier.arrive $0xFFFF;
	s2 =	simm.s32 @!p0 $0x1C0B  }
0xd8: {  	[timem:s3], [sflag:s2] =	dma.local @!p0 [hbm:s0], s1  }
0xd9: {  	s0 =	simm.s32 @!p0 $0xB  }
0xda: {  	_ =	swait.ge @!p0 [sflag:s0], s1  }
0xdb: {  	s1 =	ssub.s32 @!p0 $0x0, s1;
	[sflag:s0] =	ssyncset.done @!p0 $0x0  }
0xdc: {  	[sflag:s0] =	ssyncadd.s32 @!p0 s1  }
0xdd: {  	[bflag:$0x3] =	sbarrier.arrive $0xFFFF  }
0xde: {  	_ =	shalt  }

</sc_bundles>
